<compile_context>
chip_gen: v7x
topology: tpu7x:2x2x1
jax: 0.10.2.dev20260603
libtpu: 0.0.44.dev20260713+nightly
codegen_flags: <defaults>
</compile_context>

<pallas_src>
import functools

import jax
import jax.numpy as jnp
from jax import lax
from jax.experimental import pallas as pl
from jax.experimental.pallas import tpu as pltpu
from jax.experimental.pallas import tpu_sc as plsc

MEM_TOKENS = 50
ROWS_PER_DMA = 128
NBUF = 5


def _proj_softmax_body(t_ref, w_ref, b_ref, s_ref):
    t = t_ref[...]
    row = lax.broadcasted_iota(jnp.int32, t.shape, 0)
    is_row0 = jnp.logical_and(pl.program_id(0) == 0, row == 0)
    t = jnp.where(is_row0, 0.0, t)
    h = jnp.dot(t, w_ref[...], preferred_element_type=jnp.float32) + b_ref[...]
    m = jnp.max(h, axis=-1, keepdims=True)
    e = jnp.exp(h - m)
    s = e / jnp.sum(e, axis=-1, keepdims=True)
    s_ref[:, 0 : t.shape[1]] = s
    s_ref[:, t.shape[1] :] = jnp.zeros_like(s)


def _proj_softmax(table, W, b2d, block_rows):
    V, D = table.shape
    grid = V // block_rows
    return pl.pallas_call(
        _proj_softmax_body,
        grid=(grid,),
        in_specs=[
            pl.BlockSpec((block_rows, D), lambda i: (i, 0)),
            pl.BlockSpec((D, D), lambda i: (0, 0)),
            pl.BlockSpec((1, D), lambda i: (0, 0)),
        ],
        out_specs=pl.BlockSpec((block_rows, 2 * D), lambda i: (i, 0)),
        out_shape=jax.ShapeDtypeStruct((V, 2 * D), jnp.float32),
    )(table, W, b2d)


def _make_gather(V, D, NW, NC, chunks):
    rows_per_worker = chunks * ROWS_PER_DMA
    total = NW * rows_per_worker
    n_outer = chunks // NBUF
    assert chunks == n_outer * NBUF
    mesh = plsc.VectorSubcoreMesh(core_axis_name="c", subcore_axis_name="s")

    @functools.partial(
        pl.kernel,
        mesh=mesh,
        compiler_params=pltpu.CompilerParams(use_tc_tiling_on_sc=False),
        out_type=jax.ShapeDtypeStruct((total, D), jnp.float32),
        scratch_types=[
            pltpu.VMEM((chunks, ROWS_PER_DMA), jnp.int32),
            [pltpu.VMEM((ROWS_PER_DMA, 2 * D), jnp.float32) for _ in range(NBUF)],
            [pltpu.SemaphoreType.DMA for _ in range(NBUF)],
        ],
    )
    def gather_kernel(s_hbm, idx_hbm, out_hbm, idx_v, rows, sems):
        wid = lax.axis_index("s") * NC + lax.axis_index("c")
        base = wid * rows_per_worker
        pltpu.sync_copy(idx_hbm.at[pl.ds(wid * chunks, chunks)], idx_v)

        for b in range(NBUF):
            pltpu.async_copy(s_hbm.at[idx_v.at[b]], rows[b], sems[b])

        def outer(t, carry):
            g0 = t * NBUF
            for b in range(NBUF):
                j = g0 + b
                pltpu.make_async_copy(s_hbm.at[idx_v.at[j]], rows[b], sems[b]).wait()
                pltpu.sync_copy(
                    rows[b].at[:, 0:D],
                    out_hbm.at[pl.ds(base + j * ROWS_PER_DMA, ROWS_PER_DMA)],
                )

                @pl.when(j + NBUF < chunks)
                def _():
                    pltpu.async_copy(s_hbm.at[idx_v.at[j + NBUF]], rows[b], sems[b])

            return carry

        lax.fori_loop(0, n_outer, outer, 0)

    return gather_kernel


def kernel(x, table, W, b):
    B, L = x.shape
    V, D = table.shape
    info = plsc.get_sparse_core_info()
    NC, NS = info.num_cores, info.num_subcores
    NW = NC * NS
    tokens = B * MEM_TOKENS
    chunks = tokens // (NW * ROWS_PER_DMA)
    assert tokens == NW * chunks * ROWS_PER_DMA

    idx = x[:, L - MEM_TOKENS:].astype(jnp.int32).reshape(NW * chunks, ROWS_PER_DMA)
    S = _proj_softmax(table, W, b.reshape(1, D), block_rows=10000)
    flat = _make_gather(V, D, NW, NC, chunks)(S, idx)
    return flat.reshape(B, MEM_TOKENS, D)

# --- scband reference (transcript-rebuilt; emitter-appended) ---
"""Pipeline reference for scband-embedding-block-14508399526307 (READ-ONLY COPY).

The authoritative reference and input builder live on the scoring server;
editing this copy changes nothing except your own understanding.
"""

import jax, jax.numpy as jnp
import numpy as np

VOCAB = 100000
DIM = 64
MEM_TOKENS = 50

def setup_inputs(seed: int = 0) -> dict:
    key = jax.random.key(seed)
    k1, k2, k3 = jax.random.split(key, 3)
    x = jax.random.randint(k1, (4096, 200), 0, VOCAB, dtype=jnp.int64)
    table = jax.random.normal(k2, (VOCAB, DIM), dtype=jnp.float32) * 0.02
    table = table.at[0].set(0.0)  # padding_idx=0
    W = jax.random.normal(k3, (DIM, DIM), dtype=jnp.float32) * 0.02
    b = jnp.zeros((DIM,), dtype=jnp.float32)
    return {"x": x, "table": table, "W": W, "b": b}

def reference(x, table, W, b):
    # embedding lookup (padding row forced to zero, matching padding_idx=0)
    t = table.at[0].set(0.0)
    emb = jnp.take(t, x, axis=0)            # [B, L, D]
    # inner model: simple linear projection preserving input_dim
    h = emb @ W + b                          # [B, L, D]
    # keep last mem_tokens positions
    out = h[:, -MEM_TOKENS:, :]              # [B, mem_tokens, D]
    return jax.nn.softmax(out, axis=-1)

if __name__ == "__main__":
    import jax
    _d = setup_inputs()
    print(jax.jit(kernel)(*tuple(_d.values())))

</pallas_src>

<mosaic_0001>
#map = affine_map<(d0, d1) -> (0, 0)>
module attributes {stable_mosaic.version = 14 : i64} {
  func.func @gather_kernel(%arg0: i32, %arg1: i32, %arg2: memref<100000x128xf32, #tpu.memory_space<hbm>>, %arg3: memref<1600x128xi32, #tpu.memory_space<hbm>>, %arg4: memref<204800x64xf32, #tpu.memory_space<hbm>>, %arg5: memref<50x128xi32, #tpu.memory_space<vmem>>, %arg6: memref<128x128xf32, #tpu.memory_space<vmem>>, %arg7: memref<128x128xf32, #tpu.memory_space<vmem>>, %arg8: memref<128x128xf32, #tpu.memory_space<vmem>>, %arg9: memref<128x128xf32, #tpu.memory_space<vmem>>, %arg10: memref<128x128xf32, #tpu.memory_space<vmem>>, %arg11: memref<!tpu.dma_semaphore, #tpu.memory_space<semaphore_mem>>, %arg12: memref<!tpu.dma_semaphore, #tpu.memory_space<semaphore_mem>>, %arg13: memref<!tpu.dma_semaphore, #tpu.memory_space<semaphore_mem>>, %arg14: memref<!tpu.dma_semaphore, #tpu.memory_space<semaphore_mem>>, %arg15: memref<!tpu.dma_semaphore, #tpu.memory_space<semaphore_mem>>) attributes {dimension_semantics = [#tpu.dimension_semantics<core_parallel>, #tpu.dimension_semantics<subcore_parallel>], iteration_bounds = array<i64: 2, 16>, scalar_prefetch = 0 : i64, scratch_operands = 11 : i64, tpu.core_type = #tpu.core_type<sc_vector_subcore>, window_params = [{transform_indices = #map}, {transform_indices = #map}, {transform_indices = #map}]} {
    %mul3A = arith.constant 2 : i32
    %mul3A_0 = arith.muli %arg1, %mul3A : i32
    %add3A = arith.addi %mul3A_0, %arg0 : i32
    %mul3A_1 = arith.constant 6400 : i32
    %mul3A_2 = arith.muli %add3A, %mul3A_1 : i32
    %mul3A_3 = arith.constant 50 : i32
    %mul3A_4 = arith.muli %add3A, %mul3A_3 : i32
    "tpu.region"() ({
      %run_scoped3A = tpu.sem_alloc : memref<!tpu.dma_semaphore, #tpu.memory_space<semaphore_mem>>
      %dma_start3A_44 = arith.constant 0 : i32
      %dma_start3A_45 = tpu.memref_slice %arg3[%mul3A_4, %dma_start3A_44] : memref<1600x128xi32, #tpu.memory_space<hbm>> -> memref<50x128xi32, #tpu.memory_space<hbm>>
      %dma_start3A_46 = arith.constant 0 : i32
      %dma_start3A_47 = tpu.memref_slice %arg3[%mul3A_4, %dma_start3A_46] : memref<1600x128xi32, #tpu.memory_space<hbm>> -> memref<50x128xi32, #tpu.memory_space<hbm>>
      tpu.enqueue_dma source(%dma_start3A_47 : memref<50x128xi32, #tpu.memory_space<hbm>>) target(%arg5 : memref<50x128xi32, #tpu.memory_space<vmem>>) target_semaphore(%run_scoped3A : memref<!tpu.dma_semaphore, #tpu.memory_space<semaphore_mem>>)
      %dma_wait3A = arith.constant 0 : i32
      %dma_wait3A_48 = tpu.memref_slice %arg3[%mul3A_4, %dma_wait3A] : memref<1600x128xi32, #tpu.memory_space<hbm>> -> memref<50x128xi32, #tpu.memory_space<hbm>>
      %dma_wait3A_49 = arith.constant 0 : i32
      %dma_wait3A_50 = tpu.memref_slice %arg3[%mul3A_4, %dma_wait3A_49] : memref<1600x128xi32, #tpu.memory_space<hbm>> -> memref<50x128xi32, #tpu.memory_space<hbm>>
      tpu.wait_dma2 semaphore(%run_scoped3A : memref<!tpu.dma_semaphore, #tpu.memory_space<semaphore_mem>>) src(%dma_wait3A_50 : memref<50x128xi32, #tpu.memory_space<hbm>>) dst(%arg5 : memref<50x128xi32, #tpu.memory_space<vmem>>)
      tpu.yield
    }) : () -> ()
    %dma_start3A = arith.constant 0 : i32
    %dma_start3A_5 = arith.constant 0 : i32
    %dma_start3A_6 = tpu.memref_slice %arg5[%dma_start3A, %dma_start3A_5] : memref<50x128xi32, #tpu.memory_space<vmem>> -> memref<1x128xi32, #tpu.memory_space<vmem>>
    %dma_start3A_7 = tpu.memref_squeeze %dma_start3A_6 : memref<1x128xi32, #tpu.memory_space<vmem>> -> memref<128xi32, #tpu.memory_space<vmem>>
    %dma_start3A_8 = arith.constant 0 : i32
    %dma_start3A_9 = arith.constant 0 : i32
    %dma_start3A_10 = tpu.memref_slice %arg2[%dma_start3A_8, %dma_start3A_9] : memref<100000x128xf32, #tpu.memory_space<hbm>> -> memref<100000x128xf32, #tpu.memory_space<hbm>>
    tpu.enqueue_indirect_dma source(%dma_start3A_10 : memref<100000x128xf32, #tpu.memory_space<hbm>>) target(%arg6 : memref<128x128xf32, #tpu.memory_space<vmem>>) offsets(%dma_start3A_7 : memref<128xi32, #tpu.memory_space<vmem>>) semaphore(%arg11 : memref<!tpu.dma_semaphore, #tpu.memory_space<semaphore_mem>>)
    %dma_start3A_11 = arith.constant 1 : i32
    %dma_start3A_12 = arith.constant 0 : i32
    %dma_start3A_13 = tpu.memref_slice %arg5[%dma_start3A_11, %dma_start3A_12] : memref<50x128xi32, #tpu.memory_space<vmem>> -> memref<1x128xi32, #tpu.memory_space<vmem>>
    %dma_start3A_14 = tpu.memref_squeeze %dma_start3A_13 : memref<1x128xi32, #tpu.memory_space<vmem>> -> memref<128xi32, #tpu.memory_space<vmem>>
    %dma_start3A_15 = arith.constant 0 : i32
    %dma_start3A_16 = arith.constant 0 : i32
    %dma_start3A_17 = tpu.memref_slice %arg2[%dma_start3A_15, %dma_start3A_16] : memref<100000x128xf32, #tpu.memory_space<hbm>> -> memref<100000x128xf32, #tpu.memory_space<hbm>>
    tpu.enqueue_indirect_dma source(%dma_start3A_17 : memref<100000x128xf32, #tpu.memory_space<hbm>>) target(%arg7 : memref<128x128xf32, #tpu.memory_space<vmem>>) offsets(%dma_start3A_14 : memref<128xi32, #tpu.memory_space<vmem>>) semaphore(%arg12 : memref<!tpu.dma_semaphore, #tpu.memory_space<semaphore_mem>>)
    %dma_start3A_18 = arith.constant 2 : i32
    %dma_start3A_19 = arith.constant 0 : i32
    %dma_start3A_20 = tpu.memref_slice %arg5[%dma_start3A_18, %dma_start3A_19] : memref<50x128xi32, #tpu.memory_space<vmem>> -> memref<1x128xi32, #tpu.memory_space<vmem>>
    %dma_start3A_21 = tpu.memref_squeeze %dma_start3A_20 : memref<1x128xi32, #tpu.memory_space<vmem>> -> memref<128xi32, #tpu.memory_space<vmem>>
    %dma_start3A_22 = arith.constant 0 : i32
    %dma_start3A_23 = arith.constant 0 : i32
    %dma_start3A_24 = tpu.memref_slice %arg2[%dma_start3A_22, %dma_start3A_23] : memref<100000x128xf32, #tpu.memory_space<hbm>> -> memref<100000x128xf32, #tpu.memory_space<hbm>>
    tpu.enqueue_indirect_dma source(%dma_start3A_24 : memref<100000x128xf32, #tpu.memory_space<hbm>>) target(%arg8 : memref<128x128xf32, #tpu.memory_space<vmem>>) offsets(%dma_start3A_21 : memref<128xi32, #tpu.memory_space<vmem>>) semaphore(%arg13 : memref<!tpu.dma_semaphore, #tpu.memory_space<semaphore_mem>>)
    %dma_start3A_25 = arith.constant 3 : i32
    %dma_start3A_26 = arith.constant 0 : i32
    %dma_start3A_27 = tpu.memref_slice %arg5[%dma_start3A_25, %dma_start3A_26] : memref<50x128xi32, #tpu.memory_space<vmem>> -> memref<1x128xi32, #tpu.memory_space<vmem>>
    %dma_start3A_28 = tpu.memref_squeeze %dma_start3A_27 : memref<1x128xi32, #tpu.memory_space<vmem>> -> memref<128xi32, #tpu.memory_space<vmem>>
    %dma_start3A_29 = arith.constant 0 : i32
    %dma_start3A_30 = arith.constant 0 : i32
    %dma_start3A_31 = tpu.memref_slice %arg2[%dma_start3A_29, %dma_start3A_30] : memref<100000x128xf32, #tpu.memory_space<hbm>> -> memref<100000x128xf32, #tpu.memory_space<hbm>>
    tpu.enqueue_indirect_dma source(%dma_start3A_31 : memref<100000x128xf32, #tpu.memory_space<hbm>>) target(%arg9 : memref<128x128xf32, #tpu.memory_space<vmem>>) offsets(%dma_start3A_28 : memref<128xi32, #tpu.memory_space<vmem>>) semaphore(%arg14 : memref<!tpu.dma_semaphore, #tpu.memory_space<semaphore_mem>>)
    %dma_start3A_32 = arith.constant 4 : i32
    %dma_start3A_33 = arith.constant 0 : i32
    %dma_start3A_34 = tpu.memref_slice %arg5[%dma_start3A_32, %dma_start3A_33] : memref<50x128xi32, #tpu.memory_space<vmem>> -> memref<1x128xi32, #tpu.memory_space<vmem>>
    %dma_start3A_35 = tpu.memref_squeeze %dma_start3A_34 : memref<1x128xi32, #tpu.memory_space<vmem>> -> memref<128xi32, #tpu.memory_space<vmem>>
    %dma_start3A_36 = arith.constant 0 : i32
    %dma_start3A_37 = arith.constant 0 : i32
    %dma_start3A_38 = tpu.memref_slice %arg2[%dma_start3A_36, %dma_start3A_37] : memref<100000x128xf32, #tpu.memory_space<hbm>> -> memref<100000x128xf32, #tpu.memory_space<hbm>>
    tpu.enqueue_indirect_dma source(%dma_start3A_38 : memref<100000x128xf32, #tpu.memory_space<hbm>>) target(%arg10 : memref<128x128xf32, #tpu.memory_space<vmem>>) offsets(%dma_start3A_35 : memref<128xi32, #tpu.memory_space<vmem>>) semaphore(%arg15 : memref<!tpu.dma_semaphore, #tpu.memory_space<semaphore_mem>>)
    %scan3A = arith.constant 0 : i32
    %scan3A_39 = arith.constant 0 : i32
    %scan3A_40 = arith.constant 10 : i32
    %scan3A_41 = arith.addi %scan3A_39, %scan3A_40 : i32
    %scan3A_42 = arith.constant 1 : i32
    scf.for %scan3A_44 = %scan3A_39 to %scan3A_41 step %scan3A_42  : i32 {
      %mul3A_45 = arith.constant 5 : i32
      %mul3A_46 = arith.muli %scan3A_44, %mul3A_45 : i32
      %add3A_47 = arith.constant 0 : i32
      %add3A_48 = arith.addi %mul3A_46, %add3A_47 : i32
      %dma_wait3A = arith.constant 0 : i32
      %dma_wait3A_49 = tpu.memref_slice %arg5[%add3A_48, %dma_wait3A] : memref<50x128xi32, #tpu.memory_space<vmem>> -> memref<1x128xi32, #tpu.memory_space<vmem>>
      %dma_wait3A_50 = tpu.memref_squeeze %dma_wait3A_49 : memref<1x128xi32, #tpu.memory_space<vmem>> -> memref<128xi32, #tpu.memory_space<vmem>>
      %dma_wait3A_51 = arith.constant 0 : i32
      %dma_wait3A_52 = arith.constant 0 : i32
      %dma_wait3A_53 = tpu.memref_slice %arg2[%dma_wait3A_51, %dma_wait3A_52] : memref<100000x128xf32, #tpu.memory_space<hbm>> -> memref<100000x128xf32, #tpu.memory_space<hbm>>
      tpu.wait_indirect_dma semaphore(%arg11 : memref<!tpu.dma_semaphore, #tpu.memory_space<semaphore_mem>>) src(%dma_wait3A_53 : memref<100000x128xf32, #tpu.memory_space<hbm>>) dst(%arg6 : memref<128x128xf32, #tpu.memory_space<vmem>>)
      %mul3A_54 = arith.constant 128 : i32
      %mul3A_55 = arith.muli %add3A_48, %mul3A_54 : i32
      %add3A_56 = arith.addi %mul3A_2, %mul3A_55 : i32
      "tpu.region"() ({
        %run_scoped3A = tpu.sem_alloc : memref<!tpu.dma_semaphore, #tpu.memory_space<semaphore_mem>>
        %dma_start3A_133 = arith.constant 0 : i32
        %dma_start3A_134 = arith.constant 0 : i32
        %dma_start3A_135 = tpu.memref_slice %arg6[%dma_start3A_133, %dma_start3A_134] : memref<128x128xf32, #tpu.memory_space<vmem>> -> memref<128x64xf32, #tpu.memory_space<vmem>>
        %dma_start3A_136 = arith.constant 0 : i32
        %dma_start3A_137 = tpu.memref_slice %arg4[%add3A_56, %dma_start3A_136] : memref<204800x64xf32, #tpu.memory_space<hbm>> -> memref<128x64xf32, #tpu.memory_space<hbm>>
        %dma_start3A_138 = arith.constant 0 : i32
        %dma_start3A_139 = tpu.memref_slice %arg4[%add3A_56, %dma_start3A_138] : memref<204800x64xf32, #tpu.memory_space<hbm>> -> memref<128x64xf32, #tpu.memory_space<hbm>>
        %dma_start3A_140 = arith.constant 0 : i32
        %dma_start3A_141 = arith.constant 0 : i32
        %dma_start3A_142 = tpu.memref_slice %arg6[%dma_start3A_140, %dma_start3A_141] : memref<128x128xf32, #tpu.memory_space<vmem>> -> memref<128x64xf32, #tpu.memory_space<vmem>>
        tpu.enqueue_dma source(%dma_start3A_142 : memref<128x64xf32, #tpu.memory_space<vmem>>) target(%dma_start3A_139 : memref<128x64xf32, #tpu.memory_space<hbm>>) target_semaphore(%run_scoped3A : memref<!tpu.dma_semaphore, #tpu.memory_space<semaphore_mem>>)
        %dma_wait3A_143 = arith.constant 0 : i32
        %dma_wait3A_144 = arith.constant 0 : i32
        %dma_wait3A_145 = tpu.memref_slice %arg6[%dma_wait3A_143, %dma_wait3A_144] : memref<128x128xf32, #tpu.memory_space<vmem>> -> memref<128x64xf32, #tpu.memory_space<vmem>>
        %dma_wait3A_146 = arith.constant 0 : i32
        %dma_wait3A_147 = tpu.memref_slice %arg4[%add3A_56, %dma_wait3A_146] : memref<204800x64xf32, #tpu.memory_space<hbm>> -> memref<128x64xf32, #tpu.memory_space<hbm>>
        %dma_wait3A_148 = arith.constant 0 : i32
        %dma_wait3A_149 = tpu.memref_slice %arg4[%add3A_56, %dma_wait3A_148] : memref<204800x64xf32, #tpu.memory_space<hbm>> -> memref<128x64xf32, #tpu.memory_space<hbm>>
        %dma_wait3A_150 = arith.constant 0 : i32
        %dma_wait3A_151 = arith.constant 0 : i32
        %dma_wait3A_152 = tpu.memref_slice %arg6[%dma_wait3A_150, %dma_wait3A_151] : memref<128x128xf32, #tpu.memory_space<vmem>> -> memref<128x64xf32, #tpu.memory_space<vmem>>
        tpu.wait_dma2 semaphore(%run_scoped3A : memref<!tpu.dma_semaphore, #tpu.memory_space<semaphore_mem>>) src(%dma_wait3A_152 : memref<128x64xf32, #tpu.memory_space<vmem>>) dst(%dma_wait3A_149 : memref<128x64xf32, #tpu.memory_space<hbm>>)
        tpu.yield
      }) : () -> ()
      %add3A_57 = arith.constant 5 : i32
      %add3A_58 = arith.addi %add3A_48, %add3A_57 : i32
      %lt3A = arith.constant 50 : i32
      %lt3A_59 = arith.cmpi slt, %add3A_58, %lt3A : i32
      %convert_element_type3A = arith.extui %lt3A_59 : i1 to i32
      %cond3A = arith.constant 0 : i32
      %cond3A_60 = arith.cmpi ne, %convert_element_type3A, %cond3A : i32
      scf.if %cond3A_60 {
        %add3A_133 = arith.constant 5 : i32
        %add3A_134 = arith.addi %add3A_48, %add3A_133 : i32
        %dma_start3A_135 = arith.constant 0 : i32
        %dma_start3A_136 = tpu.memref_slice %arg5[%add3A_134, %dma_start3A_135] : memref<50x128xi32, #tpu.memory_space<vmem>> -> memref<1x128xi32, #tpu.memory_space<vmem>>
        %dma_start3A_137 = tpu.memref_squeeze %dma_start3A_136 : memref<1x128xi32, #tpu.memory_space<vmem>> -> memref<128xi32, #tpu.memory_space<vmem>>
        %dma_start3A_138 = arith.constant 0 : i32
        %dma_start3A_139 = arith.constant 0 : i32
        %dma_start3A_140 = tpu.memref_slice %arg2[%dma_start3A_138, %dma_start3A_139] : memref<100000x128xf32, #tpu.memory_space<hbm>> -> memref<100000x128xf32, #tpu.memory_space<hbm>>
        tpu.enqueue_indirect_dma source(%dma_start3A_140 : memref<100000x128xf32, #tpu.memory_space<hbm>>) target(%arg6 : memref<128x128xf32, #tpu.memory_space<vmem>>) offsets(%dma_start3A_137 : memref<128xi32, #tpu.memory_space<vmem>>) semaphore(%arg11 : memref<!tpu.dma_semaphore, #tpu.memory_space<semaphore_mem>>)
      } else {
      }
      %add3A_61 = arith.constant 1 : i32
      %add3A_62 = arith.addi %mul3A_46, %add3A_61 : i32
      %dma_wait3A_63 = arith.constant 0 : i32
      %dma_wait3A_64 = tpu.memref_slice %arg5[%add3A_62, %dma_wait3A_63] : memref<50x128xi32, #tpu.memory_space<vmem>> -> memref<1x128xi32, #tpu.memory_space<vmem>>
      %dma_wait3A_65 = tpu.memref_squeeze %dma_wait3A_64 : memref<1x128xi32, #tpu.memory_space<vmem>> -> memref<128xi32, #tpu.memory_space<vmem>>
      %dma_wait3A_66 = arith.constant 0 : i32
      %dma_wait3A_67 = arith.constant 0 : i32
      %dma_wait3A_68 = tpu.memref_slice %arg2[%dma_wait3A_66, %dma_wait3A_67] : memref<100000x128xf32, #tpu.memory_space<hbm>> -> memref<100000x128xf32, #tpu.memory_space<hbm>>
      tpu.wait_indirect_dma semaphore(%arg12 : memref<!tpu.dma_semaphore, #tpu.memory_space<semaphore_mem>>) src(%dma_wait3A_68 : memref<100000x128xf32, #tpu.memory_space<hbm>>) dst(%arg7 : memref<128x128xf32, #tpu.memory_space<vmem>>)
      %mul3A_69 = arith.constant 128 : i32
      %mul3A_70 = arith.muli %add3A_62, %mul3A_69 : i32
      %add3A_71 = arith.addi %mul3A_2, %mul3A_70 : i32
      "tpu.region"() ({
        %run_scoped3A = tpu.sem_alloc : memref<!tpu.dma_semaphore, #tpu.memory_space<semaphore_mem>>
        %dma_start3A_133 = arith.constant 0 : i32
        %dma_start3A_134 = arith.constant 0 : i32
        %dma_start3A_135 = tpu.memref_slice %arg7[%dma_start3A_133, %dma_start3A_134] : memref<128x128xf32, #tpu.memory_space<vmem>> -> memref<128x64xf32, #tpu.memory_space<vmem>>
        %dma_start3A_136 = arith.constant 0 : i32
        %dma_start3A_137 = tpu.memref_slice %arg4[%add3A_71, %dma_start3A_136] : memref<204800x64xf32, #tpu.memory_space<hbm>> -> memref<128x64xf32, #tpu.memory_space<hbm>>
        %dma_start3A_138 = arith.constant 0 : i32
        %dma_start3A_139 = tpu.memref_slice %arg4[%add3A_71, %dma_start3A_138] : memref<204800x64xf32, #tpu.memory_space<hbm>> -> memref<128x64xf32, #tpu.memory_space<hbm>>
        %dma_start3A_140 = arith.constant 0 : i32
        %dma_start3A_141 = arith.constant 0 : i32
        %dma_start3A_142 = tpu.memref_slice %arg7[%dma_start3A_140, %dma_start3A_141] : memref<128x128xf32, #tpu.memory_space<vmem>> -> memref<128x64xf32, #tpu.memory_space<vmem>>
        tpu.enqueue_dma source(%dma_start3A_142 : memref<128x64xf32, #tpu.memory_space<vmem>>) target(%dma_start3A_139 : memref<128x64xf32, #tpu.memory_space<hbm>>) target_semaphore(%run_scoped3A : memref<!tpu.dma_semaphore, #tpu.memory_space<semaphore_mem>>)
        %dma_wait3A_143 = arith.constant 0 : i32
        %dma_wait3A_144 = arith.constant 0 : i32
        %dma_wait3A_145 = tpu.memref_slice %arg7[%dma_wait3A_143, %dma_wait3A_144] : memref<128x128xf32, #tpu.memory_space<vmem>> -> memref<128x64xf32, #tpu.memory_space<vmem>>
        %dma_wait3A_146 = arith.constant 0 : i32
        %dma_wait3A_147 = tpu.memref_slice %arg4[%add3A_71, %dma_wait3A_146] : memref<204800x64xf32, #tpu.memory_space<hbm>> -> memref<128x64xf32, #tpu.memory_space<hbm>>
        %dma_wait3A_148 = arith.constant 0 : i32
        %dma_wait3A_149 = tpu.memref_slice %arg4[%add3A_71, %dma_wait3A_148] : memref<204800x64xf32, #tpu.memory_space<hbm>> -> memref<128x64xf32, #tpu.memory_space<hbm>>
        %dma_wait3A_150 = arith.constant 0 : i32
        %dma_wait3A_151 = arith.constant 0 : i32
        %dma_wait3A_152 = tpu.memref_slice %arg7[%dma_wait3A_150, %dma_wait3A_151] : memref<128x128xf32, #tpu.memory_space<vmem>> -> memref<128x64xf32, #tpu.memory_space<vmem>>
        tpu.wait_dma2 semaphore(%run_scoped3A : memref<!tpu.dma_semaphore, #tpu.memory_space<semaphore_mem>>) src(%dma_wait3A_152 : memref<128x64xf32, #tpu.memory_space<vmem>>) dst(%dma_wait3A_149 : memref<128x64xf32, #tpu.memory_space<hbm>>)
        tpu.yield
      }) : () -> ()
      %add3A_72 = arith.constant 5 : i32
      %add3A_73 = arith.addi %add3A_62, %add3A_72 : i32
      %lt3A_74 = arith.constant 50 : i32
      %lt3A_75 = arith.cmpi slt, %add3A_73, %lt3A_74 : i32
      %convert_element_type3A_76 = arith.extui %lt3A_75 : i1 to i32
      %cond3A_77 = arith.constant 0 : i32
      %cond3A_78 = arith.cmpi ne, %convert_element_type3A_76, %cond3A_77 : i32
      scf.if %cond3A_78 {
        %add3A_133 = arith.constant 5 : i32
        %add3A_134 = arith.addi %add3A_62, %add3A_133 : i32
        %dma_start3A_135 = arith.constant 0 : i32
        %dma_start3A_136 = tpu.memref_slice %arg5[%add3A_134, %dma_start3A_135] : memref<50x128xi32, #tpu.memory_space<vmem>> -> memref<1x128xi32, #tpu.memory_space<vmem>>
        %dma_start3A_137 = tpu.memref_squeeze %dma_start3A_136 : memref<1x128xi32, #tpu.memory_space<vmem>> -> memref<128xi32, #tpu.memory_space<vmem>>
        %dma_start3A_138 = arith.constant 0 : i32
        %dma_start3A_139 = arith.constant 0 : i32
        %dma_start3A_140 = tpu.memref_slice %arg2[%dma_start3A_138, %dma_start3A_139] : memref<100000x128xf32, #tpu.memory_space<hbm>> -> memref<100000x128xf32, #tpu.memory_space<hbm>>
        tpu.enqueue_indirect_dma source(%dma_start3A_140 : memref<100000x128xf32, #tpu.memory_space<hbm>>) target(%arg7 : memref<128x128xf32, #tpu.memory_space<vmem>>) offsets(%dma_start3A_137 : memref<128xi32, #tpu.memory_space<vmem>>) semaphore(%arg12 : memref<!tpu.dma_semaphore, #tpu.memory_space<semaphore_mem>>)
      } else {
      }
      %add3A_79 = arith.constant 2 : i32
      %add3A_80 = arith.addi %mul3A_46, %add3A_79 : i32
      %dma_wait3A_81 = arith.constant 0 : i32
      %dma_wait3A_82 = tpu.memref_slice %arg5[%add3A_80, %dma_wait3A_81] : memref<50x128xi32, #tpu.memory_space<vmem>> -> memref<1x128xi32, #tpu.memory_space<vmem>>
      %dma_wait3A_83 = tpu.memref_squeeze %dma_wait3A_82 : memref<1x128xi32, #tpu.memory_space<vmem>> -> memref<128xi32, #tpu.memory_space<vmem>>
      %dma_wait3A_84 = arith.constant 0 : i32
      %dma_wait3A_85 = arith.constant 0 : i32
      %dma_wait3A_86 = tpu.memref_slice %arg2[%dma_wait3A_84, %dma_wait3A_85] : memref<100000x128xf32, #tpu.memory_space<hbm>> -> memref<100000x128xf32, #tpu.memory_space<hbm>>
      tpu.wait_indirect_dma semaphore(%arg13 : memref<!tpu.dma_semaphore, #tpu.memory_space<semaphore_mem>>) src(%dma_wait3A_86 : memref<100000x128xf32, #tpu.memory_space<hbm>>) dst(%arg8 : memref<128x128xf32, #tpu.memory_space<vmem>>)
      %mul3A_87 = arith.constant 128 : i32
      %mul3A_88 = arith.muli %add3A_80, %mul3A_87 : i32
      %add3A_89 = arith.addi %mul3A_2, %mul3A_88 : i32
      "tpu.region"() ({
        %run_scoped3A = tpu.sem_alloc : memref<!tpu.dma_semaphore, #tpu.memory_space<semaphore_mem>>
        %dma_start3A_133 = arith.constant 0 : i32
        %dma_start3A_134 = arith.constant 0 : i32
        %dma_start3A_135 = tpu.memref_slice %arg8[%dma_start3A_133, %dma_start3A_134] : memref<128x128xf32, #tpu.memory_space<vmem>> -> memref<128x64xf32, #tpu.memory_space<vmem>>
        %dma_start3A_136 = arith.constant 0 : i32
        %dma_start3A_137 = tpu.memref_slice %arg4[%add3A_89, %dma_start3A_136] : memref<204800x64xf32, #tpu.memory_space<hbm>> -> memref<128x64xf32, #tpu.memory_space<hbm>>
        %dma_start3A_138 = arith.constant 0 : i32
        %dma_start3A_139 = tpu.memref_slice %arg4[%add3A_89, %dma_start3A_138] : memref<204800x64xf32, #tpu.memory_space<hbm>> -> memref<128x64xf32, #tpu.memory_space<hbm>>
        %dma_start3A_140 = arith.constant 0 : i32
        %dma_start3A_141 = arith.constant 0 : i32
        %dma_start3A_142 = tpu.memref_slice %arg8[%dma_start3A_140, %dma_start3A_141] : memref<128x128xf32, #tpu.memory_space<vmem>> -> memref<128x64xf32, #tpu.memory_space<vmem>>
        tpu.enqueue_dma source(%dma_start3A_142 : memref<128x64xf32, #tpu.memory_space<vmem>>) target(%dma_start3A_139 : memref<128x64xf32, #tpu.memory_space<hbm>>) target_semaphore(%run_scoped3A : memref<!tpu.dma_semaphore, #tpu.memory_space<semaphore_mem>>)
        %dma_wait3A_143 = arith.constant 0 : i32
        %dma_wait3A_144 = arith.constant 0 : i32
        %dma_wait3A_145 = tpu.memref_slice %arg8[%dma_wait3A_143, %dma_wait3A_144] : memref<128x128xf32, #tpu.memory_space<vmem>> -> memref<128x64xf32, #tpu.memory_space<vmem>>
        %dma_wait3A_146 = arith.constant 0 : i32
        %dma_wait3A_147 = tpu.memref_slice %arg4[%add3A_89, %dma_wait3A_146] : memref<204800x64xf32, #tpu.memory_space<hbm>> -> memref<128x64xf32, #tpu.memory_space<hbm>>
        %dma_wait3A_148 = arith.constant 0 : i32
        %dma_wait3A_149 = tpu.memref_slice %arg4[%add3A_89, %dma_wait3A_148] : memref<204800x64xf32, #tpu.memory_space<hbm>> -> memref<128x64xf32, #tpu.memory_space<hbm>>
        %dma_wait3A_150 = arith.constant 0 : i32
        %dma_wait3A_151 = arith.constant 0 : i32
        %dma_wait3A_152 = tpu.memref_slice %arg8[%dma_wait3A_150, %dma_wait3A_151] : memref<128x128xf32, #tpu.memory_space<vmem>> -> memref<128x64xf32, #tpu.memory_space<vmem>>
        tpu.wait_dma2 semaphore(%run_scoped3A : memref<!tpu.dma_semaphore, #tpu.memory_space<semaphore_mem>>) src(%dma_wait3A_152 : memref<128x64xf32, #tpu.memory_space<vmem>>) dst(%dma_wait3A_149 : memref<128x64xf32, #tpu.memory_space<hbm>>)
        tpu.yield
      }) : () -> ()
      %add3A_90 = arith.constant 5 : i32
      %add3A_91 = arith.addi %add3A_80, %add3A_90 : i32
      %lt3A_92 = arith.constant 50 : i32
      %lt3A_93 = arith.cmpi slt, %add3A_91, %lt3A_92 : i32
      %convert_element_type3A_94 = arith.extui %lt3A_93 : i1 to i32
      %cond3A_95 = arith.constant 0 : i32
      %cond3A_96 = arith.cmpi ne, %convert_element_type3A_94, %cond3A_95 : i32
      scf.if %cond3A_96 {
        %add3A_133 = arith.constant 5 : i32
        %add3A_134 = arith.addi %add3A_80, %add3A_133 : i32
        %dma_start3A_135 = arith.constant 0 : i32
        %dma_start3A_136 = tpu.memref_slice %arg5[%add3A_134, %dma_start3A_135] : memref<50x128xi32, #tpu.memory_space<vmem>> -> memref<1x128xi32, #tpu.memory_space<vmem>>
        %dma_start3A_137 = tpu.memref_squeeze %dma_start3A_136 : memref<1x128xi32, #tpu.memory_space<vmem>> -> memref<128xi32, #tpu.memory_space<vmem>>
        %dma_start3A_138 = arith.constant 0 : i32
        %dma_start3A_139 = arith.constant 0 : i32
        %dma_start3A_140 = tpu.memref_slice %arg2[%dma_start3A_138, %dma_start3A_139] : memref<100000x128xf32, #tpu.memory_space<hbm>> -> memref<100000x128xf32, #tpu.memory_space<hbm>>
        tpu.enqueue_indirect_dma source(%dma_start3A_140 : memref<100000x128xf32, #tpu.memory_space<hbm>>) target(%arg8 : memref<128x128xf32, #tpu.memory_space<vmem>>) offsets(%dma_start3A_137 : memref<128xi32, #tpu.memory_space<vmem>>) semaphore(%arg13 : memref<!tpu.dma_semaphore, #tpu.memory_space<semaphore_mem>>)
      } else {
      }
      %add3A_97 = arith.constant 3 : i32
      %add3A_98 = arith.addi %mul3A_46, %add3A_97 : i32
      %dma_wait3A_99 = arith.constant 0 : i32
      %dma_wait3A_100 = tpu.memref_slice %arg5[%add3A_98, %dma_wait3A_99] : memref<50x128xi32, #tpu.memory_space<vmem>> -> memref<1x128xi32, #tpu.memory_space<vmem>>
      %dma_wait3A_101 = tpu.memref_squeeze %dma_wait3A_100 : memref<1x128xi32, #tpu.memory_space<vmem>> -> memref<128xi32, #tpu.memory_space<vmem>>
      %dma_wait3A_102 = arith.constant 0 : i32
      %dma_wait3A_103 = arith.constant 0 : i32
      %dma_wait3A_104 = tpu.memref_slice %arg2[%dma_wait3A_102, %dma_wait3A_103] : memref<100000x128xf32, #tpu.memory_space<hbm>> -> memref<100000x128xf32, #tpu.memory_space<hbm>>
      tpu.wait_indirect_dma semaphore(%arg14 : memref<!tpu.dma_semaphore, #tpu.memory_space<semaphore_mem>>) src(%dma_wait3A_104 : memref<100000x128xf32, #tpu.memory_space<hbm>>) dst(%arg9 : memref<128x128xf32, #tpu.memory_space<vmem>>)
      %mul3A_105 = arith.constant 128 : i32
      %mul3A_106 = arith.muli %add3A_98, %mul3A_105 : i32
      %add3A_107 = arith.addi %mul3A_2, %mul3A_106 : i32
      "tpu.region"() ({
        %run_scoped3A = tpu.sem_alloc : memref<!tpu.dma_semaphore, #tpu.memory_space<semaphore_mem>>
        %dma_start3A_133 = arith.constant 0 : i32
        %dma_start3A_134 = arith.constant 0 : i32
        %dma_start3A_135 = tpu.memref_slice %arg9[%dma_start3A_133, %dma_start3A_134] : memref<128x128xf32, #tpu.memory_space<vmem>> -> memref<128x64xf32, #tpu.memory_space<vmem>>
        %dma_start3A_136 = arith.constant 0 : i32
        %dma_start3A_137 = tpu.memref_slice %arg4[%add3A_107, %dma_start3A_136] : memref<204800x64xf32, #tpu.memory_space<hbm>> -> memref<128x64xf32, #tpu.memory_space<hbm>>
        %dma_start3A_138 = arith.constant 0 : i32
        %dma_start3A_139 = tpu.memref_slice %arg4[%add3A_107, %dma_start3A_138] : memref<204800x64xf32, #tpu.memory_space<hbm>> -> memref<128x64xf32, #tpu.memory_space<hbm>>
        %dma_start3A_140 = arith.constant 0 : i32
        %dma_start3A_141 = arith.constant 0 : i32
        %dma_start3A_142 = tpu.memref_slice %arg9[%dma_start3A_140, %dma_start3A_141] : memref<128x128xf32, #tpu.memory_space<vmem>> -> memref<128x64xf32, #tpu.memory_space<vmem>>
        tpu.enqueue_dma source(%dma_start3A_142 : memref<128x64xf32, #tpu.memory_space<vmem>>) target(%dma_start3A_139 : memref<128x64xf32, #tpu.memory_space<hbm>>) target_semaphore(%run_scoped3A : memref<!tpu.dma_semaphore, #tpu.memory_space<semaphore_mem>>)
        %dma_wait3A_143 = arith.constant 0 : i32
        %dma_wait3A_144 = arith.constant 0 : i32
        %dma_wait3A_145 = tpu.memref_slice %arg9[%dma_wait3A_143, %dma_wait3A_144] : memref<128x128xf32, #tpu.memory_space<vmem>> -> memref<128x64xf32, #tpu.memory_space<vmem>>
        %dma_wait3A_146 = arith.constant 0 : i32
        %dma_wait3A_147 = tpu.memref_slice %arg4[%add3A_107, %dma_wait3A_146] : memref<204800x64xf32, #tpu.memory_space<hbm>> -> memref<128x64xf32, #tpu.memory_space<hbm>>
        %dma_wait3A_148 = arith.constant 0 : i32
        %dma_wait3A_149 = tpu.memref_slice %arg4[%add3A_107, %dma_wait3A_148] : memref<204800x64xf32, #tpu.memory_space<hbm>> -> memref<128x64xf32, #tpu.memory_space<hbm>>
        %dma_wait3A_150 = arith.constant 0 : i32
        %dma_wait3A_151 = arith.constant 0 : i32
        %dma_wait3A_152 = tpu.memref_slice %arg9[%dma_wait3A_150, %dma_wait3A_151] : memref<128x128xf32, #tpu.memory_space<vmem>> -> memref<128x64xf32, #tpu.memory_space<vmem>>
        tpu.wait_dma2 semaphore(%run_scoped3A : memref<!tpu.dma_semaphore, #tpu.memory_space<semaphore_mem>>) src(%dma_wait3A_152 : memref<128x64xf32, #tpu.memory_space<vmem>>) dst(%dma_wait3A_149 : memref<128x64xf32, #tpu.memory_space<hbm>>)
        tpu.yield
      }) : () -> ()
      %add3A_108 = arith.constant 5 : i32
      %add3A_109 = arith.addi %add3A_98, %add3A_108 : i32
      %lt3A_110 = arith.constant 50 : i32
      %lt3A_111 = arith.cmpi slt, %add3A_109, %lt3A_110 : i32
      %convert_element_type3A_112 = arith.extui %lt3A_111 : i1 to i32
      %cond3A_113 = arith.constant 0 : i32
      %cond3A_114 = arith.cmpi ne, %convert_element_type3A_112, %cond3A_113 : i32
      scf.if %cond3A_114 {
        %add3A_133 = arith.constant 5 : i32
        %add3A_134 = arith.addi %add3A_98, %add3A_133 : i32
        %dma_start3A_135 = arith.constant 0 : i32
        %dma_start3A_136 = tpu.memref_slice %arg5[%add3A_134, %dma_start3A_135] : memref<50x128xi32, #tpu.memory_space<vmem>> -> memref<1x128xi32, #tpu.memory_space<vmem>>
        %dma_start3A_137 = tpu.memref_squeeze %dma_start3A_136 : memref<1x128xi32, #tpu.memory_space<vmem>> -> memref<128xi32, #tpu.memory_space<vmem>>
        %dma_start3A_138 = arith.constant 0 : i32
        %dma_start3A_139 = arith.constant 0 : i32
        %dma_start3A_140 = tpu.memref_slice %arg2[%dma_start3A_138, %dma_start3A_139] : memref<100000x128xf32, #tpu.memory_space<hbm>> -> memref<100000x128xf32, #tpu.memory_space<hbm>>
        tpu.enqueue_indirect_dma source(%dma_start3A_140 : memref<100000x128xf32, #tpu.memory_space<hbm>>) target(%arg9 : memref<128x128xf32, #tpu.memory_space<vmem>>) offsets(%dma_start3A_137 : memref<128xi32, #tpu.memory_space<vmem>>) semaphore(%arg14 : memref<!tpu.dma_semaphore, #tpu.memory_space<semaphore_mem>>)
      } else {
      }
      %add3A_115 = arith.constant 4 : i32
      %add3A_116 = arith.addi %mul3A_46, %add3A_115 : i32
      %dma_wait3A_117 = arith.constant 0 : i32
      %dma_wait3A_118 = tpu.memref_slice %arg5[%add3A_116, %dma_wait3A_117] : memref<50x128xi32, #tpu.memory_space<vmem>> -> memref<1x128xi32, #tpu.memory_space<vmem>>
      %dma_wait3A_119 = tpu.memref_squeeze %dma_wait3A_118 : memref<1x128xi32, #tpu.memory_space<vmem>> -> memref<128xi32, #tpu.memory_space<vmem>>
      %dma_wait3A_120 = arith.constant 0 : i32
      %dma_wait3A_121 = arith.constant 0 : i32
      %dma_wait3A_122 = tpu.memref_slice %arg2[%dma_wait3A_120, %dma_wait3A_121] : memref<100000x128xf32, #tpu.memory_space<hbm>> -> memref<100000x128xf32, #tpu.memory_space<hbm>>
      tpu.wait_indirect_dma semaphore(%arg15 : memref<!tpu.dma_semaphore, #tpu.memory_space<semaphore_mem>>) src(%dma_wait3A_122 : memref<100000x128xf32, #tpu.memory_space<hbm>>) dst(%arg10 : memref<128x128xf32, #tpu.memory_space<vmem>>)
      %mul3A_123 = arith.constant 128 : i32
      %mul3A_124 = arith.muli %add3A_116, %mul3A_123 : i32
      %add3A_125 = arith.addi %mul3A_2, %mul3A_124 : i32
      "tpu.region"() ({
        %run_scoped3A = tpu.sem_alloc : memref<!tpu.dma_semaphore, #tpu.memory_space<semaphore_mem>>
        %dma_start3A_133 = arith.constant 0 : i32
        %dma_start3A_134 = arith.constant 0 : i32
        %dma_start3A_135 = tpu.memref_slice %arg10[%dma_start3A_133, %dma_start3A_134] : memref<128x128xf32, #tpu.memory_space<vmem>> -> memref<128x64xf32, #tpu.memory_space<vmem>>
        %dma_start3A_136 = arith.constant 0 : i32
        %dma_start3A_137 = tpu.memref_slice %arg4[%add3A_125, %dma_start3A_136] : memref<204800x64xf32, #tpu.memory_space<hbm>> -> memref<128x64xf32, #tpu.memory_space<hbm>>
        %dma_start3A_138 = arith.constant 0 : i32
        %dma_start3A_139 = tpu.memref_slice %arg4[%add3A_125, %dma_start3A_138] : memref<204800x64xf32, #tpu.memory_space<hbm>> -> memref<128x64xf32, #tpu.memory_space<hbm>>
        %dma_start3A_140 = arith.constant 0 : i32
        %dma_start3A_141 = arith.constant 0 : i32
        %dma_start3A_142 = tpu.memref_slice %arg10[%dma_start3A_140, %dma_start3A_141] : memref<128x128xf32, #tpu.memory_space<vmem>> -> memref<128x64xf32, #tpu.memory_space<vmem>>
        tpu.enqueue_dma source(%dma_start3A_142 : memref<128x64xf32, #tpu.memory_space<vmem>>) target(%dma_start3A_139 : memref<128x64xf32, #tpu.memory_space<hbm>>) target_semaphore(%run_scoped3A : memref<!tpu.dma_semaphore, #tpu.memory_space<semaphore_mem>>)
        %dma_wait3A_143 = arith.constant 0 : i32
        %dma_wait3A_144 = arith.constant 0 : i32
        %dma_wait3A_145 = tpu.memref_slice %arg10[%dma_wait3A_143, %dma_wait3A_144] : memref<128x128xf32, #tpu.memory_space<vmem>> -> memref<128x64xf32, #tpu.memory_space<vmem>>
        %dma_wait3A_146 = arith.constant 0 : i32
        %dma_wait3A_147 = tpu.memref_slice %arg4[%add3A_125, %dma_wait3A_146] : memref<204800x64xf32, #tpu.memory_space<hbm>> -> memref<128x64xf32, #tpu.memory_space<hbm>>
        %dma_wait3A_148 = arith.constant 0 : i32
        %dma_wait3A_149 = tpu.memref_slice %arg4[%add3A_125, %dma_wait3A_148] : memref<204800x64xf32, #tpu.memory_space<hbm>> -> memref<128x64xf32, #tpu.memory_space<hbm>>
        %dma_wait3A_150 = arith.constant 0 : i32
        %dma_wait3A_151 = arith.constant 0 : i32
        %dma_wait3A_152 = tpu.memref_slice %arg10[%dma_wait3A_150, %dma_wait3A_151] : memref<128x128xf32, #tpu.memory_space<vmem>> -> memref<128x64xf32, #tpu.memory_space<vmem>>
        tpu.wait_dma2 semaphore(%run_scoped3A : memref<!tpu.dma_semaphore, #tpu.memory_space<semaphore_mem>>) src(%dma_wait3A_152 : memref<128x64xf32, #tpu.memory_space<vmem>>) dst(%dma_wait3A_149 : memref<128x64xf32, #tpu.memory_space<hbm>>)
        tpu.yield
      }) : () -> ()
      %add3A_126 = arith.constant 5 : i32
      %add3A_127 = arith.addi %add3A_116, %add3A_126 : i32
      %lt3A_128 = arith.constant 50 : i32
      %lt3A_129 = arith.cmpi slt, %add3A_127, %lt3A_128 : i32
      %convert_element_type3A_130 = arith.extui %lt3A_129 : i1 to i32
      %cond3A_131 = arith.constant 0 : i32
      %cond3A_132 = arith.cmpi ne, %convert_element_type3A_130, %cond3A_131 : i32
      scf.if %cond3A_132 {
        %add3A_133 = arith.constant 5 : i32
        %add3A_134 = arith.addi %add3A_116, %add3A_133 : i32
        %dma_start3A_135 = arith.constant 0 : i32
        %dma_start3A_136 = tpu.memref_slice %arg5[%add3A_134, %dma_start3A_135] : memref<50x128xi32, #tpu.memory_space<vmem>> -> memref<1x128xi32, #tpu.memory_space<vmem>>
        %dma_start3A_137 = tpu.memref_squeeze %dma_start3A_136 : memref<1x128xi32, #tpu.memory_space<vmem>> -> memref<128xi32, #tpu.memory_space<vmem>>
        %dma_start3A_138 = arith.constant 0 : i32
        %dma_start3A_139 = arith.constant 0 : i32
        %dma_start3A_140 = tpu.memref_slice %arg2[%dma_start3A_138, %dma_start3A_139] : memref<100000x128xf32, #tpu.memory_space<hbm>> -> memref<100000x128xf32, #tpu.memory_space<hbm>>
        tpu.enqueue_indirect_dma source(%dma_start3A_140 : memref<100000x128xf32, #tpu.memory_space<hbm>>) target(%arg10 : memref<128x128xf32, #tpu.memory_space<vmem>>) offsets(%dma_start3A_137 : memref<128xi32, #tpu.memory_space<vmem>>) semaphore(%arg15 : memref<!tpu.dma_semaphore, #tpu.memory_space<semaphore_mem>>)
      } else {
      }
    }
    %scan3A_43 = arith.constant 10 : i32
    return
  }
}

module attributes {stable_mosaic.version = 14 : i64} {
  func.func @_proj_softmax_body(%arg0: i32, %arg1: memref<10000x64xf32, #tpu.memory_space<vmem>>, %arg2: memref<64x64xf32, #tpu.memory_space<vmem>>, %arg3: memref<1x64xf32, #tpu.memory_space<vmem>>, %arg4: memref<10000x128xf32, #tpu.memory_space<vmem>>) attributes {dimension_semantics = [#tpu.dimension_semantics<arbitrary>], iteration_bounds = array<i64: 10>, scalar_prefetch = 0 : i64, scratch_operands = 0 : i64, tpu.core_type = #tpu.core_type<tc>, window_params = [{transform_indices = @transform_0, window_bounds = array<i64: 10000, 64>}, {pipeline_mode = #tpu.pipeline_mode<synchronous>, transform_indices = @transform_1, window_bounds = array<i64: 64, 64>}, {pipeline_mode = #tpu.pipeline_mode<synchronous>, transform_indices = @transform_2, window_bounds = array<i64: 1, 64>}, {transform_indices = @transform_3, window_bounds = array<i64: 10000, 128>}]} {
    %get3A = arith.constant 0 : index
    %get3A_0 = arith.constant 0 : index
    %get3A_1 = vector.load %arg1[%get3A, %get3A_0] : memref<10000x64xf32, #tpu.memory_space<vmem>>, vector<10000x64xf32>
    %iota3A = tpu.iota {dimensions = array<i32: 0>} : vector<10000x64xi32>
    %eq3A = arith.constant 0 : i32
    %eq3A_2 = arith.cmpi eq, %arg0, %eq3A : i32
    %eq3A_3 = arith.constant 0 : i32
    %eq3A_4 = vector.broadcast %eq3A_3 : i32 to vector<10000x64xi32>
    %eq3A_5 = arith.cmpi eq, %iota3A, %eq3A_4 : vector<10000x64xi32>
    %and3A = vector.broadcast %eq3A_2 : i1 to vector<10000x64xi1>
    %and3A_6 = arith.andi %and3A, %eq3A_5 : vector<10000x64xi1>
    %jit3A = arith.constant 0.000000e+00 : f32
    %broadcast_in_dim3A = vector.broadcast %jit3A : f32 to vector<10000x64xf32>
    %select_n3A = arith.select %and3A_6, %broadcast_in_dim3A, %get3A_1 : vector<10000x64xi1>, vector<10000x64xf32>
    %get3A_7 = arith.constant 0 : index
    %get3A_8 = arith.constant 0 : index
    %get3A_9 = vector.load %arg2[%get3A_7, %get3A_8] : memref<64x64xf32, #tpu.memory_space<vmem>>, vector<64x64xf32>
    %dot_general3A = arith.constant dense<0.000000e+00> : vector<10000x64xf32>
    %dot_general3A_10 = tpu.matmul %select_n3A, %get3A_9, %dot_general3A {dimension_numbers = #tpu.dot_dimension_numbers<[1], [0], [0], [1], [0, 0, 1, 1], [], []>, transpose_lhs_hint = false} : vector<10000x64xf32>, vector<64x64xf32>, vector<10000x64xf32> -> vector<10000x64xf32>
    %get3A_11 = arith.constant 0 : index
    %get3A_12 = arith.constant 0 : index
    %get3A_13 = vector.load %arg3[%get3A_11, %get3A_12] : memref<1x64xf32, #tpu.memory_space<vmem>>, vector<1x64xf32>
    %add3A = vector.broadcast %get3A_13 : vector<1x64xf32> to vector<10000x64xf32>
    %add3A_14 = arith.addf %dot_general3A_10, %add3A : vector<10000x64xf32>
    %reduce_max3A = arith.constant dense<0xFF800000> : vector<10000xf32>
    %reduce_max3A_15 = vector.multi_reduction <maximumf>, %add3A_14, %reduce_max3A [1] : vector<10000x64xf32> to vector<10000xf32>
    %broadcast_in_dim3A_16 = vector.shape_cast %reduce_max3A_15 : vector<10000xf32> to vector<10000x1xf32>
    %sub3A = vector.broadcast %broadcast_in_dim3A_16 : vector<10000x1xf32> to vector<10000x64xf32>
    %sub3A_17 = arith.subf %add3A_14, %sub3A : vector<10000x64xf32>
    %exp3A = math.exp %sub3A_17 : vector<10000x64xf32>
    %reduce_sum3A = arith.constant dense<0.000000e+00> : vector<10000xf32>
    %reduce_sum3A_18 = vector.multi_reduction <add>, %exp3A, %reduce_sum3A [1] : vector<10000x64xf32> to vector<10000xf32>
    %broadcast_in_dim3A_19 = vector.shape_cast %reduce_sum3A_18 : vector<10000xf32> to vector<10000x1xf32>
    %div3A = vector.broadcast %broadcast_in_dim3A_19 : vector<10000x1xf32> to vector<10000x64xf32>
    %div3A_20 = arith.divf %exp3A, %div3A : vector<10000x64xf32>
    %swap3A = arith.constant 0 : index
    %swap3A_21 = arith.constant 0 : index
    %swap3A_22 = vector.load %arg4[%swap3A, %swap3A_21] : memref<10000x128xf32, #tpu.memory_space<vmem>>, vector<10000x64xf32>
    tpu.vector_store %arg4[%swap3A, %swap3A_21], %div3A_20 {strides = array<i32>} : memref<10000x128xf32, #tpu.memory_space<vmem>>, vector<10000x64xf32>,
    %broadcast_in_dim3A_23 = arith.constant 0.000000e+00 : f32
    %broadcast_in_dim3A_24 = vector.broadcast %broadcast_in_dim3A_23 : f32 to vector<10000x64xf32>
    %swap3A_25 = arith.constant 0 : index
    %swap3A_26 = arith.constant 64 : index
    %swap3A_27 = vector.load %arg4[%swap3A_25, %swap3A_26] : memref<10000x128xf32, #tpu.memory_space<vmem>>, vector<10000x64xf32>
    tpu.vector_store %arg4[%swap3A_25, %swap3A_26], %broadcast_in_dim3A_24 {strides = array<i32>} : memref<10000x128xf32, #tpu.memory_space<vmem>>, vector<10000x64xf32>,
    return
  }
  func.func @transform_0(%arg0: i32) -> (i32, i32) {
    %c0_i32 = arith.constant 0 : i32
    %c0_i32_0 = arith.constant 0 : i32
    return %arg0, %c0_i32 : i32, i32
  }
  func.func @transform_1(%arg0: i32) -> (i32, i32) {
    %c0_i32 = arith.constant 0 : i32
    %c0_i32_0 = arith.constant 0 : i32
    %c0_i32_1 = arith.constant 0 : i32
    return %c0_i32, %c0_i32_0 : i32, i32
  }
  func.func @transform_2(%arg0: i32) -> (i32, i32) {
    %c0_i32 = arith.constant 0 : i32
    %c0_i32_0 = arith.constant 0 : i32
    %c0_i32_1 = arith.constant 0 : i32
    return %c0_i32, %c0_i32_0 : i32, i32
  }
  func.func @transform_3(%arg0: i32) -> (i32, i32) {
    %c0_i32 = arith.constant 0 : i32
    %c0_i32_0 = arith.constant 0 : i32
    return %arg0, %c0_i32 : i32, i32
  }
}

</mosaic_0001>

<sc_bundles>
// kernel: kernel.4.cloned.1.call-start
scs
__scs_entry_jumppad:
0x0: {  	(pc) =	sbr.rel $0x88, $3  }
0x1: {  	(tag) =	ssettag $0x0;
	lr =	simm.s32 $0x1  }
0x2: {  	[smem:$0x3F9D] =	sst lr;
	_ =	strace $0xD0000000  }
0x3: {  	_ = 	snop  }
0x4: {  	_ = 	snop  }
0x5: {  	_ = 	snop  }
0x6: {  	_ = 	snop  }
0x7: {  	_ = 	snop  }
__scs_overlays_trampoline_lowered:
0x8: {  	[smem:$0x3FAC] =	sst s0  }
0x9: {  	[smem:$0x3FAD] =	sst s1  }
0xa: {  	[smem:$0x3FAE] =	sst s2  }
0xb: {  	[smem:$0x3FAF] =	sst s3  }
0xc: {  	[smem:$0x3FB0] =	sst s4  }
0xd: {  	[smem:$0x3FB1] =	sst s5  }
0xe: {  	[smem:$0x3FB2] =	sst s6  }
0xf: {  	[smem:$0x3FB3] =	sst s7  }
0x10: {  	[smem:$0x3FB4] =	sst s8  }
0x11: {  	[smem:$0x3FB5] =	sst s9;
	s0 =	simm.s32 @!p0 $0x0  }
0x12: {  	s1 =	sld [smem:$0x3F9B];
	s0 =	simm.s32 @p0 $0x1  }
0x13: {  	[smem:$0x3FB6] =	sst s0;
	s0 =	simm.s32 @!p1 $0x0  }
0x14: {  	s2 =	sld [smem:$0x3F9A];
	s0 =	simm.s32 @p1 $0x1  }
0x15: {  	[smem:$0x3FB7] =	sst s0;
	s0 =	simm.s32 @!p2 $0x0  }
0x16: {  	s3 =	sld [smem:$0x3FDB];
	s0 =	simm.s32 @p2 $0x1  }
0x17: {  	s4 =	simm.s32 $0x1BF5;
	[smem:$0x3FB9] =	sst s0  }
0x18: {  	s0 =	sld [smem:$0x3F9C];
	_ =	swait.ge [sflag:s4], $0x0  }
0x19: {  	s7 =	sld [smem:$0x3F9D]  }
0x1a: {  	s8 =	sadd.s32 $0xFFFFE003, lr  }
0x1b: {  	s9 =	sadd.s32 $0xFFFFFEF7, lr;
	s5 =	simm.s32 $0xFFFFFFFF;
	p2 =	slt.u32 s8, $0xFFFFF086  }
0x1c: {  	p1 =	slt.u32 s9, $0xF7A;
	s5 =	simm.s32 @!p2 $0x0  }
0x1d: {  	s5 =	simm.s32 @p1 $0x1;
	p0 =	seq.s32 s7, s2  }
0x1e: {  	s7 =	smul.u32 @!p0 $0xF7A, s2;
	p2 =	seq.s32 @!p0 s5, $0x0  }
0x1f: {  	s9 =	smul.u32 $0xF7A, s1;
	s8 =	simm.s32 @!p0 $0x1BF5;
	p2 =	por !p2, p0  }
0x20: {  	[sflag:s8] =	ssyncset.s32 @!p0 $0xFFFFF086;
	s6 =	sadd.s32 @!p0 s3, s7;
	s7 =	simm.s32 @!p0 $0x108  }
0x21: {  	s3 =	sadd.s32 s3, s9;
	s6 =	sadd.s32 @!p0 $0x88, s6;
	s7 =	simm.s32 @p2 $0x1082  }
0x22: {  	[simem:s7], [sflag:s8] =	dma.local @!p0 [hbm:s6], $0xF7A  }
0x23: {  	s9 =	sor.u32 $0xD0000000, s2;
	s6 =	simm.s32 $0x108;
	_ =	swait.ge @!p0 [sflag:s8], $0x0  }
0x24: {  	s3 =	sadd.s32 $0x88, s3;
	s6 =	simm.s32 @!p1 $0x1082;
	[sflag:s4] =	ssyncset.s32 $0xFFFFF086  }
0x25: {  	[simem:s6], [sflag:s4] =	dma.local [hbm:s3], $0xF7A  }
0x26: {  	[smem:$0x3F9D] =	sst s1;
	(tag) =	ssettag s2;
	_ =	strace s9  }
0x27: {  	s1 =	sld [smem:$0x3FAD]  }
0x28: {  	s2 =	sld [smem:$0x3FAE]  }
0x29: {  	s4 =	sld [smem:$0x3FB0]  }
0x2a: {  	p0 =	seq.s32 s5, $0x0;
	s5 =	sld [smem:$0x3FB1]  }
0x2b: {  	s6 =	sld [smem:$0x3FB2]  }
0x2c: {  	s7 =	sld [smem:$0x3FB3]  }
0x2d: {  	s3 =	simm.s32 $0x108;
	s8 =	sld [smem:$0x3FB4]  }
0x2e: {  	s3 =	simm.s32 @!p0 $0x1082;
	s9 =	sld [smem:$0x3FB5]  }
0x2f: {  	lr =	sadd.s32 s0, s3;
	s0 =	sld [smem:$0x3FAC]  }
0x30: {  	s3 =	sld [smem:$0x3FAF]  }
0x31: {  	[smem:$0x3FB8] =	sst s10  }
0x32: {  	s10 =	sld [smem:$0x3FB6];
	_ =	sdelay $0x3  }
0x33: {  	p0 =	seq.s32 s10, $0x1;
	s10 =	sld [smem:$0x3FB8];
	_ =	sdelay $0x3  }
0x34: {  	[smem:$0x3FB8] =	sst s10  }
0x35: {  	s10 =	sld [smem:$0x3FB7];
	_ =	sdelay $0x3  }
0x36: {  	p1 =	seq.s32 s10, $0x1;
	s10 =	sld [smem:$0x3FB8];
	_ =	sdelay $0x3  }
0x37: {  	[smem:$0x3FB8] =	sst s10  }
0x38: {  	s10 =	sld [smem:$0x3FB9]  }
0x39: {  	_ = 	snop;
	(pc) =	sbr.ind lr, $3  }
0x3a: {  	_ = 	snop  }
0x3b: {  	_ = 	snop  }
0x3c: {  	p2 =	seq.s32 s10, $0x1;
	s10 =	sld [smem:$0x3FB8]  }
0x3d: {  	_ =	shalt  }
0x3e: {  	_ =	shalt  }
0x3f: {  	_ =	shalt  }
0x40: {  	_ =	shalt  }
0x41: {  	_ =	shalt  }
0x42: {  	_ =	shalt  }
0x43: {  	_ =	shalt  }
0x44: {  	_ =	shalt  }
0x45: {  	_ =	shalt  }
0x46: {  	_ =	shalt  }
0x47: {  	_ =	shalt  }
0x48: {  	_ =	shalt  }
0x49: {  	_ =	shalt  }
0x4a: {  	_ =	shalt  }
0x4b: {  	_ =	shalt  }
0x4c: {  	_ =	shalt  }
0x4d: {  	_ =	shalt  }
0x4e: {  	_ =	shalt  }
0x4f: {  	_ =	shalt  }
0x50: {  	_ =	shalt  }
0x51: {  	_ =	shalt  }
0x52: {  	_ =	shalt  }
0x53: {  	_ =	shalt  }
0x54: {  	_ =	shalt  }
0x55: {  	_ =	shalt  }
0x56: {  	_ =	shalt  }
0x57: {  	_ =	shalt  }
0x58: {  	_ =	shalt  }
0x59: {  	_ =	shalt  }
0x5a: {  	_ =	shalt  }
0x5b: {  	_ =	shalt  }
0x5c: {  	_ =	shalt  }
0x5d: {  	_ =	shalt  }
0x5e: {  	_ =	shalt  }
0x5f: {  	_ =	shalt  }
0x60: {  	_ =	shalt  }
0x61: {  	_ =	shalt  }
0x62: {  	_ =	shalt  }
0x63: {  	_ =	shalt  }
0x64: {  	_ =	shalt  }
0x65: {  	_ =	shalt  }
0x66: {  	_ =	shalt  }
0x67: {  	_ =	shalt  }
0x68: {  	_ =	shalt  }
0x69: {  	_ =	shalt  }
0x6a: {  	_ =	shalt  }
0x6b: {  	_ =	shalt  }
0x6c: {  	_ =	shalt  }
0x6d: {  	_ =	shalt  }
0x6e: {  	_ =	shalt  }
0x6f: {  	_ =	shalt  }
0x70: {  	_ =	shalt  }
0x71: {  	_ =	shalt  }
0x72: {  	_ =	shalt  }
0x73: {  	_ =	shalt  }
0x74: {  	_ =	shalt  }
0x75: {  	_ =	shalt  }
0x76: {  	_ =	shalt  }
0x77: {  	_ =	shalt  }
0x78: {  	_ =	shalt  }
0x79: {  	_ =	shalt  }
0x7a: {  	_ =	shalt  }
0x7b: {  	_ =	shalt  }
0x7c: {  	_ =	shalt  }
0x7d: {  	_ =	shalt  }
0x7e: {  	_ =	shalt  }
0x7f: {  	_ =	shalt  }
0x80: {  	_ =	shalt  }
0x81: {  	_ =	shalt  }
0x82: {  	_ =	shalt  }
0x83: {  	_ =	shalt  }
0x84: {  	_ =	shalt  }
0x85: {  	_ =	shalt  }
0x86: {  	_ =	shalt  }
0x87: {  	_ =	shalt  }
.Lfunc_end0:
.L_simem_size_0:
called_computation.1_lowered:
.L_overlay_start_0:
0x88: {  	s2 =	sld [smem:$0x3FD9]  }
0x89: {  	s3 =	sld [smem:$0x3FFE];
	_ =	sdelay $0x1  }
0x8a: {  	s1 =	srdreg.scid  }
0x8b: {  	s0 =	sand.u32 $0x1, s1  }
0x8c: {  	s17 =	sshll.u32 s0, $0xA;
	s2 =	sadd.s32 s3, s2  }
0x8d: {  	s2 =	sadd.s32 s2, s17  }
0x8e: {  	[smem:$0x3FC4] =	sst s2  }
0x8f: {  	_ = 	snop  }
0x90: {  	s2 =	sld [smem:$0x3FD0];
	(tm) =	ssettm $0x1  }
0x91: {  	s18 =	sld [smem:$0x3FFB];
	_ =	sdelay $0x3  }
0x92: {  	_ =	strace s18  }
0x93: {  	s3 =	sld [smem:$0x3FFC];
	_ =	sdelay $0x3  }
0x94: {  	_ =	strace s3  }
0x95: {  	s3 =	sld [smem:$0x3FFD];
	_ =	sdelay $0x3  }
0x96: {  	_ =	strace s3  }
0x97: {  	_ =	strace $0x8FFFFFFF  }
0x98: {  	s19 =	sld [smem:$0x3FDB];
	_ =	sdelay $0x1  }
0x99: {  	s4 =	simm.s32 $_scs_section_size  }
0x9a: {  	s5 =	simm.s32 $_size__tile_overlayer_lowered;
	s6 =	simm.s32 $_tile_overlayer_lowered  }
0x9b: {  	s22 =	simm.s32 $0x1BFF;
	s21 =	sshll.u32 s6, $0x1;
	s3 =	sadd.s32 s4, s19  }
0x9c: {  	s7 =	simm.s32 $0x0;
	s20 =	sshll.u32 s5, $0x1;
	s5 =	sadd.s32 s21, s3  }
0x9d: {  	[timem:s7], [sflag:s22] =	dma.local [hbm:s5], s20  }
0x9e: {  	_ =	swait.ge [sflag:s22], s20  }
0x9f: {  	s4 =	ssub.s32 $0x0, s20;
	[sflag:s22] =	ssyncset.done $0x0  }
0xa0: {  	[sflag:s22] =	ssyncadd.s32 s4;
	_ =	sdelay $0x1  }
0xa1: {  	s23 =	simm.s32 $0x1B8B  }
0xa2: {  	_ =	swait.ge [sflag:s23], $0x1  }
0xa3: {  	[sflag:s23] =	ssyncset.done $0x0  }
0xa4: {  	s25 =	simm.s32 $0x1B8E;
	s24 =	sld [smem:$0x3FFE];
	[sflag:s23] =	ssyncadd.s32 $0xFFFFFFFF  }
0xa5: {  	s26 =	simm.s32 $execute0_lowered;
	[smem:$0x3FD2] =	sst s25  }
0xa6: {  	s5 =	sshll.u32 s26, $0x1;
	_ =	strace $0x80000046;
	[dreg:$0x1] =	wrdreg $0xFFFFFFFF  }
0xa7: {  	s28 =	simm.s32 $_size_execute0_lowered;
	s3 =	sadd.s32 s3, s5;
	[dreg:$0x0] =	wrdreg $0x0  }
0xa8: {  	s5 =	sshll.u32 s28, $0x1;
	[dreg:$0x2] =	wrdreg s3  }
0xa9: {  	[dreg:$0x3] =	wrdreg s5  }
0xaa: {  	[dreg:$0x4] =	wrdreg $0xC0  }
0xab: {  	_ =	task [dreg:s7], $0x5FFFF  }
0xac: {  	[dreg:$0x1] =	wrdreg $0xFFFFFFFF  }
0xad: {  	[dreg:$0x0] =	wrdreg $0x60  }
0xae: {  	[dreg:$0x2] =	wrdreg s24  }
0xaf: {  	[dreg:$0x3] =	wrdreg s2  }
0xb0: {  	[dreg:$0x4] =	wrdreg $0x9  }
0xb1: {  	_ =	task.clear_ibuf [dreg:s7], $0x5FFFF;
	_ =	strace $0x90000046  }
0xb2: {  	s29 =	simm.s32 $0x9;
	_ =	strace $0x80000048  }
0xb3: {  	_ =	swait.ge [sflag:s29], $0x1  }
0xb4: {  	[sflag:s29] =	ssyncadd.s32 $0xFFFFFFFF  }
0xb5: {  	_ =	strace $0x90000048  }
0xb6: {  	_ =	sfence  }
0xb7: {  	s30 =	sld [smem:$0x0];
	_ =	sdelay $0x2  }
0xb8: {  	s31 =	sshll.u32 s1, $0xD;
	s1 =	sshrl.u32 s1, $0x2  }
0xb9: {  	s3 =	sand.u32 $0x4000, s31;
	s1 =	sadd.s32 s1, s30  }
0xba: {  	s0 =	sor.u32 s3, s0;
	s1 =	sshll.u32 s1, $0x11  }
0xbb: {  	s0 =	sor.u32 s1, s0  }
0xbc: {  	s0 =	sadd.s32 $0x8F2B, s0  }
0xbd: {  	[sflag:s0] =	ssyncadd.remote.s32 $0x1  }
0xbe: {  	_ =	sfence.sel $0xFFFF  }
0xbf: {  	[dreg:$0x0] =	wrdreg $0xFFFFFFFF;
	(pc) =	sbr.abs _section_cstart, $3  }
0xc0: {  	[dreg:$0x1] =	wrdreg $0xFFFFFFFF  }
0xc1: {  	_ =	task.clear_ibuf [dreg:s7], $0x2FFFF;
	_ =	strace $0x9FFFFFFF  }
0xc2: {  	(tm) =	ssettm $0x7FFFFFFF  }
0xc3: {  	_ =	shalt  }
tec
execute0_lowered:
.L_overlay_start_1:
0x0: {  	(tag) =	ssettag $0x1  }
0x1: {  	s0 =	rddreg [dreg:$0x0];
	s1 =	srdreg.scid  }
0x2: {  	s3 =	stileid.u32;
	s2 =	rddreg [dreg:$0x1]  }
0x3: {  	s12 =	simm.s32 $0x6;
	s13 =	simm.s32 $0x80;
	s17 =	simm.s32 $0x9900  }
0x4: {  	s18 =	simm.s32 $0x180;
	s19 =	simm.s32 $0xD900;
	s20 =	simm.s32 $0x200  }
0x5: {  	s21 =	simm.s32 $0x11900;
	s22 =	simm.s32 $0x1;
	s23 =	simm.s32 $0x2  }
0x6: {  	s24 =	simm.s32 $0x3;
	s1 =	sand.u32 $0x1, s1;
	s4 =	sshll.u32 s3, $0x1  }
0x7: {  	s25 =	simm.s32 $0x4;
	s26 =	simm.s32 $0x5;
	s4 =	sor.u32 s1, s4  }
0x8: {  	s28 =	simm.s32 $0x0;
	s3 =	simm.s32 $0x0;
	s5 =	smul.u32 $0x320, s4  }
.Ltmp0:
0x9: {  	[smem:$0x7FF] =	sst s3;
	s1 =	ssub.s32 $0x2, s1;
	(pc) =	sbr.rel .LBB2_1-.Ltmp0, $4  }
0xa: {  	_ =	strace $0x80000047;
	s7 =	sshrl.u32 s1, $0x1;
	s4 =	smul.u32 $0x1900, s4  }
0xb: {  	s31 =	ssub.s32 s1, s7;
	s6 =	sadd.s32 s5, s0;
	s5 =	sadd.s32 $0x7000, s0  }
0xc: {  	s7 =	sor.u32 $0x80, s4;
	s8 =	sadd.s32 $0x100, s4;
	s9 =	sadd.s32 $0x180, s4  }
0xd: {  	s10 =	sadd.s32 $0x200, s4;
	s11 =	smax.u32 s31, $0x1;
	s6 =	sadd.s32 $0xC00, s6  }
.LBB2_14:
0xe: {  	s28 =	sadd.s32 $0x1, s28  }
0xf: {  	p0 =	sne.s32 s28, s11  }
.Ltmp1:
0x10: {  	_ = 	snop;
	(pc) =	sbr.rel @!p0 .LBB2_15-.Ltmp1, $1  }
0x11: {  	_ =	sdelay $0x3  }
.LBB2_1:
0x12: {  	[tilespmem:s3], [sflag:$0x6] =	stream.linear.gather [hbm4b:s6+s3], $0x1900, $0x38;
	[tilespmem:$0x15900] =	vst v63  }
0x13: {  	_ =	swait.ge [sflag:s12], $0x1900  }
0x14: {  	[sflag:s12] =	ssyncset.done $0x0  }
0x15: {  	s0 =	simm.s32 $0x1900;
	[sflag:s12] =	ssyncadd.s32 $0xFFFFE700  }
0x16: {  	[tilespmem:s0], [sflag:$0x1] =	stream.indirect.gather [hbm4b:s5+s13], $0x80, s3, s13, $0xb8;
	[tilespmem:$0x15900] =	vst v63  }
0x17: {  	s30 =	simm.s32 $0x5900  }
0x18: {  	[tilespmem:s30], [sflag:$0x2] =	stream.indirect.gather [hbm4b:s5+s13], $0x80, s13, s13, $0xb8;
	[tilespmem:$0x15900] =	vst v63  }
0x19: {  	s31 =	simm.s32 $0x100  }
0x1a: {  	[tilespmem:s17], [sflag:$0x3] =	stream.indirect.gather [hbm4b:s5+s13], $0x80, s31, s13, $0xb8;
	[tilespmem:$0x15900] =	vst v63  }
0x1b: {  	_ = 	snop  }
0x1c: {  	[tilespmem:s19], [sflag:$0x4] =	stream.indirect.gather [hbm4b:s5+s13], $0x80, s18, s13, $0xb8;
	[tilespmem:$0x15900] =	vst v63  }
0x1d: {  	s29 =	simm.s32 $0x0  }
0x1e: {  	[tilespmem:s21], [sflag:$0x5] =	stream.indirect.gather [hbm4b:s5+s13], $0x80, s20, s13, $0xb8;
	[tilespmem:$0x15900] =	vst v63  }
.LBB2_2:
0x1f: {  	s30 =	smul.u32 $0x280, s29;
	_ =	sdelay $0x1  }
0x20: {  	s0 =	sadd.s32 s4, s30  }
0x21: {  	_ =	swait.ge [sflag:s22], $0x4000;
	s1 =	simm.s32 $0x1900;
	s0 =	sshll.u32 s0, $0x3  }
0x22: {  	s14 =	simm.s32 $0x1980;
	[sflag:s22] =	ssyncset.done $0x0;
	s31 =	sadd.s32 s2, s0  }
0x23: {  	[sflag:s22] =	ssyncadd.s32 $0xFFFFC000;
	s0 =	simm.s32 $0x8;
	s15 =	sadd.s32 $0x0, s31  }
.LBB2_3:
0x24: {  	[hbm4b:s15+s3] =	stream.linear.scatter [tilespmem:s1], [sflag:$0x6], $0x40, $0x38;
	[tilespmem:$0x15900] =	vst v63  }
0x25: {  	s15 =	smov.u32 s0;
	s1 =	smov.u32 s14;
	p0 =	sne.s32 s0, $0x3F8  }
.Ltmp2:
0x26: {  	s0 =	sadd.s32 $0x8, s0;
	(pc) =	sbr.rel @p0 .LBB2_3-.Ltmp2, $2  }
0x27: {  	_ =	sdelay $0x2  }
0x28: {  	s14 =	sadd.s32 $0x80, s14;
	s15 =	sadd.s32 s15, s31  }
0x29: {  	[hbm4b:s15+s3] =	stream.linear.scatter [tilespmem:s1], [sflag:$0x6], $0x40, $0x38;
	[tilespmem:$0x15900] =	vst v63  }
0x2a: {  	p0 =	seq.s32 s29, $0x9  }
0x2b: {  	s0 =	smul.u32 @!p0 $0xA00, s29  }
0x2c: {  	s16 =	sadd.s32 s30, s7;
	_ =	swait.ge [sflag:s12], $0x2000  }
0x2d: {  	s1 =	simm.s32 @!p0 $0x80;
	[sflag:s12] =	ssyncset.done $0x0;
	s31 =	sshra.s32 @!p0 s0, $0x2  }
0x2e: {  	s14 =	simm.s32 @!p0 $0x1900;
	[sflag:s12] =	ssyncadd.s32 $0xFFFFE000;
	s0 =	sadd.s32 @!p0 $0x280, s31  }
0x2f: {  	[tilespmem:s14], [sflag:$0x1] =	stream.indirect.gather @!p0 [hbm4b:s5+s1], $0x80, s0, s1, $0xb8;
	[tilespmem:$0x15900] =	vst v63  }
0x30: {  	s0 =	sshll.u32 s16, $0x3  }
0x31: {  	s15 =	simm.s32 $0x5980;
	_ =	swait.ge [sflag:s23], $0x4000;
	s0 =	sand.u32 $0x1FFFFC00, s0  }
0x32: {  	s14 =	simm.s32 $0x8;
	[sflag:s23] =	ssyncset.done $0x0;
	s1 =	sadd.s32 s2, s0  }
0x33: {  	s0 =	simm.s32 $0x5900;
	[sflag:s23] =	ssyncadd.s32 $0xFFFFC000;
	s16 =	sadd.s32 $0x0, s1  }
.LBB2_5:
0x34: {  	[hbm4b:s16+s3] =	stream.linear.scatter [tilespmem:s0], [sflag:$0x6], $0x40, $0x38;
	[tilespmem:$0x15900] =	vst v63  }
0x35: {  	s16 =	smov.u32 s14;
	s0 =	smov.u32 s15;
	p1 =	sne.s32 s14, $0x3F8  }
.Ltmp3:
0x36: {  	s14 =	sadd.s32 $0x8, s14;
	(pc) =	sbr.rel @p1 .LBB2_5-.Ltmp3, $2  }
0x37: {  	_ =	sdelay $0x2  }
0x38: {  	s15 =	sadd.s32 $0x80, s15;
	s16 =	sadd.s32 s16, s1  }
0x39: {  	[hbm4b:s16+s3] =	stream.linear.scatter [tilespmem:s0], [sflag:$0x6], $0x40, $0x38;
	[tilespmem:$0x15900] =	vst v63  }
0x3a: {  	_ =	swait.ge [sflag:s12], $0x2000  }
0x3b: {  	s0 =	sadd.s32 @!p0 $0x300, s31;
	s1 =	simm.s32 @!p0 $0x80;
	[sflag:s12] =	ssyncset.done $0x0  }
0x3c: {  	s14 =	simm.s32 @!p0 $0x5900;
	s16 =	sadd.s32 s30, s8;
	[sflag:s12] =	ssyncadd.s32 $0xFFFFE000  }
0x3d: {  	[tilespmem:s14], [sflag:$0x2] =	stream.indirect.gather @!p0 [hbm4b:s5+s1], $0x80, s0, s1, $0xb8;
	[tilespmem:$0x15900] =	vst v63  }
0x3e: {  	s0 =	sshll.u32 s16, $0x3  }
0x3f: {  	s15 =	simm.s32 $0x9980;
	_ =	swait.ge [sflag:s24], $0x4000;
	s0 =	sand.u32 $0x1FFFFC00, s0  }
0x40: {  	s14 =	simm.s32 $0x8;
	[sflag:s24] =	ssyncset.done $0x0;
	s1 =	sadd.s32 s2, s0  }
0x41: {  	s0 =	simm.s32 $0x9900;
	[sflag:s24] =	ssyncadd.s32 $0xFFFFC000;
	s16 =	sadd.s32 $0x0, s1  }
.LBB2_7:
0x42: {  	[hbm4b:s16+s3] =	stream.linear.scatter [tilespmem:s0], [sflag:$0x6], $0x40, $0x38;
	[tilespmem:$0x15900] =	vst v63  }
0x43: {  	s16 =	smov.u32 s14;
	s0 =	smov.u32 s15;
	p1 =	sne.s32 s14, $0x3F8  }
.Ltmp4:
0x44: {  	s14 =	sadd.s32 $0x8, s14;
	(pc) =	sbr.rel @p1 .LBB2_7-.Ltmp4, $2  }
0x45: {  	_ =	sdelay $0x2  }
0x46: {  	s15 =	sadd.s32 $0x80, s15;
	s16 =	sadd.s32 s16, s1  }
0x47: {  	[hbm4b:s16+s3] =	stream.linear.scatter [tilespmem:s0], [sflag:$0x6], $0x40, $0x38;
	[tilespmem:$0x15900] =	vst v63  }
0x48: {  	_ =	swait.ge [sflag:s12], $0x2000  }
0x49: {  	s0 =	sadd.s32 @!p0 $0x380, s31;
	s1 =	simm.s32 @!p0 $0x80;
	[sflag:s12] =	ssyncset.done $0x0  }
0x4a: {  	s14 =	simm.s32 @!p0 $0x9900;
	s16 =	sadd.s32 s30, s9;
	[sflag:s12] =	ssyncadd.s32 $0xFFFFE000  }
0x4b: {  	[tilespmem:s14], [sflag:$0x3] =	stream.indirect.gather @!p0 [hbm4b:s5+s1], $0x80, s0, s1, $0xb8;
	[tilespmem:$0x15900] =	vst v63  }
0x4c: {  	s0 =	sshll.u32 s16, $0x3  }
0x4d: {  	s15 =	simm.s32 $0xD980;
	_ =	swait.ge [sflag:s25], $0x4000;
	s0 =	sand.u32 $0x1FFFFC00, s0  }
0x4e: {  	s14 =	simm.s32 $0x8;
	[sflag:s25] =	ssyncset.done $0x0;
	s1 =	sadd.s32 s2, s0  }
0x4f: {  	s0 =	simm.s32 $0xD900;
	[sflag:s25] =	ssyncadd.s32 $0xFFFFC000;
	s16 =	sadd.s32 $0x0, s1  }
.LBB2_9:
0x50: {  	[hbm4b:s16+s3] =	stream.linear.scatter [tilespmem:s0], [sflag:$0x6], $0x40, $0x38;
	[tilespmem:$0x15900] =	vst v63  }
0x51: {  	s16 =	smov.u32 s14;
	s0 =	smov.u32 s15;
	p1 =	sne.s32 s14, $0x3F8  }
.Ltmp5:
0x52: {  	s14 =	sadd.s32 $0x8, s14;
	(pc) =	sbr.rel @p1 .LBB2_9-.Ltmp5, $2  }
0x53: {  	_ =	sdelay $0x2  }
0x54: {  	s15 =	sadd.s32 $0x80, s15;
	s16 =	sadd.s32 s16, s1  }
0x55: {  	[hbm4b:s16+s3] =	stream.linear.scatter [tilespmem:s0], [sflag:$0x6], $0x40, $0x38;
	[tilespmem:$0x15900] =	vst v63  }
0x56: {  	_ =	swait.ge [sflag:s12], $0x2000  }
0x57: {  	s0 =	sadd.s32 @!p0 $0x400, s31;
	s1 =	simm.s32 @!p0 $0x80;
	[sflag:s12] =	ssyncset.done $0x0  }
0x58: {  	s14 =	simm.s32 @!p0 $0xD900;
	s31 =	sadd.s32 s30, s10;
	[sflag:s12] =	ssyncadd.s32 $0xFFFFE000  }
0x59: {  	[tilespmem:s14], [sflag:$0x4] =	stream.indirect.gather @!p0 [hbm4b:s5+s1], $0x80, s0, s1, $0xb8;
	[tilespmem:$0x15900] =	vst v63  }
0x5a: {  	s0 =	sshll.u32 s31, $0x3  }
0x5b: {  	s15 =	simm.s32 $0x11980;
	_ =	swait.ge [sflag:s26], $0x4000;
	s0 =	sand.u32 $0x1FFFFC00, s0  }
0x5c: {  	s14 =	simm.s32 $0x8;
	[sflag:s26] =	ssyncset.done $0x0;
	s1 =	sadd.s32 s2, s0  }
0x5d: {  	s0 =	simm.s32 $0x11900;
	[sflag:s26] =	ssyncadd.s32 $0xFFFFC000;
	s16 =	sadd.s32 $0x0, s1  }
.LBB2_11:
0x5e: {  	[hbm4b:s16+s3] =	stream.linear.scatter [tilespmem:s0], [sflag:$0x6], $0x40, $0x38;
	[tilespmem:$0x15900] =	vst v63  }
0x5f: {  	s16 =	smov.u32 s14;
	s0 =	smov.u32 s15;
	p1 =	sne.s32 s14, $0x3F8  }
.Ltmp6:
0x60: {  	s14 =	sadd.s32 $0x8, s14;
	(pc) =	sbr.rel @p1 .LBB2_11-.Ltmp6, $2  }
0x61: {  	_ =	sdelay $0x2  }
0x62: {  	s15 =	sadd.s32 $0x80, s15;
	s16 =	sadd.s32 s16, s1  }
.Ltmp7:
0x63: {  	(pc) =	sbr.rel @p0 .LBB2_14-.Ltmp7, $4  }
0x64: {  	[hbm4b:s16+s3] =	stream.linear.scatter [tilespmem:s0], [sflag:$0x6], $0x40, $0x38;
	[tilespmem:$0x15900] =	vst v63  }
0x65: {  	_ =	swait.ge [sflag:s12], $0x2000  }
0x66: {  	[sflag:s12] =	ssyncset.done $0x0  }
0x67: {  	[sflag:s12] =	ssyncadd.s32 $0xFFFFE000  }
0x68: {  	s0 =	smul.u32 $0xA00, s29  }
.Ltmp8:
0x69: {  	_ = 	snop;
	(pc) =	sbr.rel .LBB2_2-.Ltmp8, $4  }
0x6a: {  	_ = 	snop  }
0x6b: {  	s0 =	sshra.s32 s0, $0x2  }
0x6c: {  	s29 =	sadd.s32 $0x1, s29;
	s0 =	sadd.s32 $0x480, s0  }
0x6d: {  	[tilespmem:s21], [sflag:$0x5] =	stream.indirect.gather [hbm4b:s5+s13], $0x80, s0, s13, $0xb8;
	[tilespmem:$0x15900] =	vst v63  }
.LBB2_15:
0x6e: {  	_ =	sfence.sel $0x180000  }
0x6f: {  	[bflag:$0x0] =	sbarrier.arrive $0xFFFF  }
0x70: {  	_ =	strace $0x90000047  }
0x71: {  	s0 =	stileid.u32;
	[bflag:$0x2] =	sbarrier.arrive $0xFFFF  }
0x72: {  	p0 =	sne.s32 s0, $0x0;
	s0 =	rddreg [dreg:$0x2]  }
0x73: {  	s0 =	sadd.s32 @!p0 $0x100000, s0  }
0x74: {  	[sflag:s0] =	ssyncadd.tile.s32 @!p0 $0x1;
	_ =	shalt  }
.Lfunc_end2:
_tile_overlayer_lowered:
.L_overlay_start_2:
0x75: {  	(tag) =	ssettag $0x2  }
0x76: {  	s0 =	rddreg [dreg:$0x0];
	s2 =	stileid.u32  }
0x77: {  	s1 =	rddreg [dreg:$0x1];
	p0 =	sne.s32 s2, $0x0  }
0x78: {  	s3 =	rddreg [dreg:$0x2];
	[bflag:$0x3] =	sbarrier.arrive $0xFFFF;
	s2 =	simm.s32 @!p0 $0x1C06  }
0x79: {  	[timem:s3], [sflag:s2] =	dma.local @!p0 [hbm:s0], s1  }
0x7a: {  	s0 =	simm.s32 @!p0 $0x6  }
0x7b: {  	_ =	swait.ge @!p0 [sflag:s0], s1  }
0x7c: {  	s1 =	ssub.s32 @!p0 $0x0, s1;
	[sflag:s0] =	ssyncset.done @!p0 $0x0  }
0x7d: {  	[sflag:s0] =	ssyncadd.s32 @!p0 s1  }
0x7e: {  	[bflag:$0x3] =	sbarrier.arrive $0xFFFF  }
0x7f: {  	_ =	shalt  }

// kernel: sparse-core-data-format-call.cloned.1.call-start
scs
called_computation_lowered:
.L_overlay_start_0:
0x0: {  	s2 =	sld [smem:$0x3FD9]  }
0x1: {  	s3 =	sld [smem:$0x3FFE];
	_ =	sdelay $0x1  }
0x2: {  	s1 =	srdreg.scid  }
0x3: {  	s0 =	sand.u32 $0x1, s1  }
0x4: {  	s18 =	sshll.u32 s0, $0xA;
	s2 =	sadd.s32 s3, s2  }
0x5: {  	s2 =	sadd.s32 s2, s18  }
0x6: {  	[smem:$0x3FC4] =	sst s2  }
0x7: {  	_ = 	snop  }
0x8: {  	s2 =	sld [smem:$0x3FD0];
	(tm) =	ssettm $0x1  }
0x9: {  	s19 =	sld [smem:$0x3FFB];
	_ =	sdelay $0x3  }
0xa: {  	_ =	strace s19  }
0xb: {  	s3 =	sld [smem:$0x3FFC];
	_ =	sdelay $0x3  }
0xc: {  	_ =	strace s3  }
0xd: {  	s3 =	sld [smem:$0x3FFD];
	_ =	sdelay $0x3  }
0xe: {  	_ =	strace s3  }
0xf: {  	_ =	strace $0x8FFFFFFF  }
0x10: {  	s20 =	sld [smem:$0x3FDB];
	_ =	sdelay $0x1  }
0x11: {  	s4 =	simm.s32 $_scs_section_size  }
0x12: {  	s5 =	simm.s32 $_size__tile_overlayer_lowered;
	s6 =	simm.s32 $_tile_overlayer_lowered  }
0x13: {  	s23 =	simm.s32 $0x1BFF;
	s22 =	sshll.u32 s6, $0x1;
	s3 =	sadd.s32 s4, s20  }
0x14: {  	s7 =	simm.s32 $0x0;
	s21 =	sshll.u32 s5, $0x1;
	s5 =	sadd.s32 s22, s3  }
0x15: {  	[timem:s7], [sflag:s23] =	dma.local [hbm:s5], s21  }
0x16: {  	_ =	swait.ge [sflag:s23], s21  }
0x17: {  	s4 =	ssub.s32 $0x0, s21;
	[sflag:s23] =	ssyncset.done $0x0  }
0x18: {  	[sflag:s23] =	ssyncadd.s32 s4;
	_ =	sdelay $0x1  }
0x19: {  	s24 =	simm.s32 $0x1B8B  }
0x1a: {  	_ =	swait.ge [sflag:s24], $0x1  }
0x1b: {  	[sflag:s24] =	ssyncset.done $0x0  }
0x1c: {  	s26 =	simm.s32 $0x1B8E;
	s25 =	sld [smem:$0x3FFE];
	[sflag:s24] =	ssyncadd.s32 $0xFFFFFFFF  }
0x1d: {  	s27 =	simm.s32 $execute0_lowered;
	[smem:$0x3FD2] =	sst s26  }
0x1e: {  	s5 =	sshll.u32 s27, $0x1;
	_ =	strace $0x80000049;
	[dreg:$0x1] =	wrdreg $0xFFFFFFFF  }
0x1f: {  	s28 =	simm.s32 $_size_execute0_lowered;
	s3 =	sadd.s32 s3, s5;
	[dreg:$0x0] =	wrdreg $0x0  }
0x20: {  	s5 =	sshll.u32 s28, $0x1;
	[dreg:$0x2] =	wrdreg s3  }
0x21: {  	[dreg:$0x3] =	wrdreg s5  }
0x22: {  	[dreg:$0x4] =	wrdreg $0xC0  }
0x23: {  	_ =	task [dreg:s7], $0x5FFFF  }
0x24: {  	[dreg:$0x1] =	wrdreg $0xFFFFFFFF  }
0x25: {  	[dreg:$0x0] =	wrdreg $0x60  }
0x26: {  	[dreg:$0x2] =	wrdreg s25  }
0x27: {  	[dreg:$0x3] =	wrdreg s2  }
0x28: {  	[dreg:$0x4] =	wrdreg $0x9  }
0x29: {  	_ =	task.clear_ibuf [dreg:s7], $0x5FFFF;
	_ =	strace $0x90000049  }
0x2a: {  	s29 =	simm.s32 $0x9;
	_ =	strace $0x8000004B  }
0x2b: {  	_ =	swait.ge [sflag:s29], $0x1  }
0x2c: {  	[sflag:s29] =	ssyncadd.s32 $0xFFFFFFFF  }
0x2d: {  	_ =	strace $0x9000004B  }
0x2e: {  	_ =	sfence  }
0x2f: {  	s30 =	sld [smem:$0x0];
	_ =	sdelay $0x2  }
0x30: {  	s31 =	sshll.u32 s1, $0xD;
	s1 =	sshrl.u32 s1, $0x2  }
0x31: {  	s3 =	sand.u32 $0x4000, s31;
	s1 =	sadd.s32 s1, s30  }
0x32: {  	s0 =	sor.u32 s3, s0;
	s1 =	sshll.u32 s1, $0x11  }
0x33: {  	s0 =	sor.u32 s1, s0  }
0x34: {  	s0 =	sadd.s32 $0x8F2B, s0  }
0x35: {  	[sflag:s0] =	ssyncadd.remote.s32 $0x1  }
0x36: {  	_ =	sfence.sel $0xFFFF  }
0x37: {  	[dreg:$0x0] =	wrdreg $0xFFFFFFFF;
	(pc) =	sbr.abs _section_cstart, $3  }
0x38: {  	[dreg:$0x1] =	wrdreg $0xFFFFFFFF  }
0x39: {  	_ =	task.clear_ibuf [dreg:s7], $0x2FFFF;
	_ =	strace $0x9FFFFFFF  }
0x3a: {  	(tm) =	ssettm $0x7FFFFFFF  }
0x3b: {  	_ =	shalt  }
tec
execute0_lowered:
.L_overlay_start_1:
0x0: {  	(tag) =	ssettag $0x1  }
0x1: {  	s0 =	srdreg.scid  }
0x2: {  	s1 =	sshll.u32 s0, $0x4  }
0x3: {  	s0 =	stileid.u32;
	s1 =	sand.u32 $0x10, s1  }
0x4: {  	s1 =	sor.u32 s0, s1  }
0x5: {  	s6 =	rddreg [dreg:$0x0];
	s4 =	simm.s32 $0x1;
	s2 =	sshll.u32 s1, $0x7  }
0x6: {  	s7 =	simm.s32 $0x2;
	s12 =	simm.s32 $0x0;
	s1 =	ssub.s32 $0x1000, s2  }
0x7: {  	s8 =	simm.s32 $0x8000;
	s13 =	simm.s32 $0x0;
	s3 =	sand.u32 $0xF80, s1  }
0x8: {  	s9 =	simm.s32 $0x0;
	s5 =	sshrl.u32 s1, $0xC;
	p0 =	sne.s32 s3, $0x0  }
.Ltmp0:
0x9: {  	s1 =	rddreg [dreg:$0x2];
	s4 =	simm.s32 @!p0 $0x0;
	(pc) =	sbr.rel .LBB1_1-.Ltmp0, $4  }
0xa: {  	s11 =	simm.s32 $0x0;
	s3 =	rddreg [dreg:$0x1];
	s5 =	sadd.s32 s4, s5  }
0xb: {  	_ =	strace $0x8000004A;
	s4 =	simm.s32 $0x1;
	s5 =	smul.u32 $0x32, s5  }
0xc: {  	s6 =	sadd.s32 $0xC00, s6;
	s10 =	smov.u32 s2;
	[sflag:s4] =	ssyncpa.u1 $0x0  }
0xd: {  	p0 =	por $0x0, $0x0;
	[sflag:s7] =	ssyncpa.u1 $0x0;
	s7 =	sor.u32 $0x1, s5  }
.LBB1_4:
0xe: {  	s16 =	sshll.u32 s13, $0x3;
	s17 =	sand.u32 $0x78, s13  }
0xf: {  	s30 =	sand.u32 $0x7E00, s13;
	s12 =	sshll.u32 s12, $0xF;
	s16 =	sand.u32 $0xC00, s16  }
0x10: {  	[tilespmem:s15+$0x810 ss:$0x81] =	vst.msk $0xffff, v2;
	s31 =	sand.u32 $0x7, s13;
	s16 =	sor.u32 s17, s16;
	s17 =	sadd.s32 s3, s30  }
0x11: {  	[tilespmem:s15+$0x1020 ss:$0x81] =	vst.msk $0xffff, v0;
	s13 =	sshll.u32 s31, $0x12;
	s12 =	sadd.s32 s12, s17;
	s16 =	sshrl.u32 s16, $0x3  }
0x12: {  	[tilespmem:s15+$0x0 ss:$0x81] =	vst.msk $0xffff, v1;
	s13 =	sor.u32 $0x400, s13;
	s12 =	sadd.s32 s16, s12  }
0x13: {  	[hbm4b:s12+s13] =	stream.strided.scatter [tilespmem:s14], [sflag:$0x2], $0x2000, s8, s13, $0x20;
	[tilespmem:$0x8080] =	vst v63  }
.LBB1_5:
0x14: {  	s14 =	sadd.s32 $0x1, s9  }
0x15: {  	s12 =	sadd.s32 $0x1000, s10;
	s16 =	smov.u32 s10;
	p2 =	sgt.s32 s14, $0x31  }
0x16: {  	s16 =	smov.u32 @p2 s12  }
0x17: {  	s14 =	simm.s32 @p2 $0x0;
	p2 =	sgt.s32 s16, $0xFFF  }
0x18: {  	s16 =	smov.u32 @p2 s2;
	p2 =	sne.s32 s11, s7  }
.Ltmp1:
0x19: {  	p1 =	slt.u32 s11, $0x2;
	(pc) =	sbr.rel @!p2 .LBB1_6-.Ltmp1, $4  }
0x1a: {  	s15 =	simm.s32 @!p1 $0x2  }
0x1b: {  	s13 =	smov.u32 s10;
	p0 =	por !p0, !p0;
	_ =	swait.ge @!p1 [sflag:s15], $0x2000  }
0x1c: {  	s12 =	smov.u32 s9;
	[sflag:s15] =	ssyncset.done @!p1 $0x0;
	s9 =	smov.u32 s14  }
0x1d: {  	s11 =	sadd.s32 $0x1, s11;
	[sflag:s15] =	ssyncadd.s32 @!p1 $0xFFFFE000;
	s10 =	smov.u32 s16  }
.LBB1_1:
0x1e: {  	p1 =	sge.u32 s11, s5  }
0x1f: {  	s14 =	sand.u32 @!p1 $0x1FFFFFF, s9  }
0x20: {  	s15 =	smulhi.u32 @!p1 $0x4924925, s14;
	_ =	sdelay $0x1  }
0x21: {  	s15 =	smul.u32 @!p1 $0x38, s15  }
0x22: {  	s16 =	sxor.u32 @!p1 $0xFFFFFFFF, s11;
	s17 =	smul.u32 @!p1 $0x380, s10  }
0x23: {  	s31 =	sadd.s32 $0xFFFFFFFF, s11;
	s16 =	sshll.u32 @!p1 s16, $0xD;
	s14 =	ssub.s32 @!p1 s14, s15  }
0x24: {  	s15 =	sand.u32 @!p1 $0x2000, s16;
	s16 =	sadd.s32 @!p1 s6, s17;
	s14 =	sshll.u32 @!p1 s14, $0x4  }
0x25: {  	s17 =	simm.s32 @!p1 $0x1C00;
	s14 =	sadd.s32 @!p1 s14, s16;
	s16 =	simm.s32 @!p1 $0x40  }
0x26: {  	[tilespmem:s15], [sflag:$0x1] =	stream.strided.gather @!p1 [hbm4b:s14+s16], $0x2000, s17, s16, $0x38;
	[tilespmem:$0x8080] =	vst v63  }
0x27: {  	p1 =	sge.u32 s31, s5  }
.Ltmp2:
0x28: {  	_ = 	snop;
	(pc) =	sbr.rel @p1 .LBB1_5-.Ltmp2, $1  }
0x29: {  	_ =	sdelay $0x3  }
0x2a: {  	s14 =	simm.s32 $0x1  }
0x2b: {  	_ =	swait.ge [sflag:s4], $0x2000;
	s14 =	simm.s32 @!p0 $0x0  }
0x2c: {  	[sflag:s4] =	ssyncset.done $0x0;
	s15 =	sshll.u32 s14, $0xD  }
0x2d: {  	[sflag:s4] =	ssyncadd.s32 $0xFFFFE000;
	s18 =	sor.u32 $0x20, s15  }
0x2e: {  	s14 =	smul.u32 $0x8100, s14;
	v3 =	vld [tilespmem:s18+$0x10]  }
0x2f: {  	s30 =	sand.u32 $0x1, s11;
	v2 =	vld [tilespmem:s18+$0xFFFFFFF0]  }
0x30: {  	s15 =	smul.u32 $0x8100, s30;
	s14 =	sshrl.u32 s14, $0x2;
	v0 =	vld [tilespmem:s18+$0x0]  }
0x31: {  	v1 =	vld [tilespmem:s18+$0xFFFFFFE0];
	s16 =	sor.u32 $0x4000, s14  }
0x32: {  	s31 =	sshrl.u32 s15, $0x2;
	s15 =	sadd.s32 $0x0, s16  }
0x33: {  	s17 =	simm.s32 $0x4;
	s18 =	sadd.s32 $0x40, s18;
	s14 =	sor.u32 $0x4000, s31;
	[tilespmem:s15+$0x1830 ss:$0x81] =	vst.msk $0xffff, v3  }
.LBB1_3:
0x34: {  	v3 =	vld [tilespmem:s18+$0x10];
	p1 =	sne.s32 s17, $0x1FC;
	[tilespmem:s15+$0x810 ss:$0x81] =	vst.msk $0xffff, v2;
	s19 =	smov.u32 s17;
	s17 =	sadd.s32 $0x4, s17  }
.Ltmp3:
0x35: {  	v2 =	vld [tilespmem:s18+$0xFFFFFFF0];
	[tilespmem:s15+$0x1020 ss:$0x81] =	vst.msk $0xffff, v0;
	(pc) =	sbr.rel @p1 .LBB1_3-.Ltmp3, $4  }
0x36: {  	v0 =	vld [tilespmem:s18+$0x0];
	[tilespmem:s15+$0x0 ss:$0x81] =	vst.msk $0xffff, v1  }
0x37: {  	s15 =	sshra.s32 s19, $0x2;
	v1 =	vld [tilespmem:s18+$0xFFFFFFE0]  }
0x38: {  	s15 =	sadd.s32 s15, s16  }
0x39: {  	s18 =	sadd.s32 $0x40, s18;
	[tilespmem:s15+$0x1830 ss:$0x81] =	vst.msk $0xffff, v3  }
.Ltmp4:
0x3a: {  	_ = 	snop;
	(pc) =	sbr.rel .LBB1_4-.Ltmp4, $1  }
0x3b: {  	_ =	sdelay $0x3  }
.LBB1_6:
0x3c: {  	_ =	sfence.sel $0x180000  }
0x3d: {  	s2 =	simm.s32 $0x1;
	[bflag:$0x0] =	sbarrier.arrive $0xFFFF  }
0x3e: {  	s31 =	simm.s32 $0x2;
	[sflag:s2] =	ssyncpa.u1 $0x1  }
0x3f: {  	[sflag:s31] =	ssyncpa.u1 $0x1  }
0x40: {  	p0 =	sne.s32 s0, $0x0;
	_ =	strace $0x9000004A  }
0x41: {  	s0 =	sadd.s32 @!p0 $0x100000, s1;
	[bflag:$0x2] =	sbarrier.arrive $0xFFFF  }
0x42: {  	[sflag:s0] =	ssyncadd.tile.s32 @!p0 $0x1;
	_ =	shalt  }
.Lfunc_end1:
_tile_overlayer_lowered:
.L_overlay_start_2:
0x43: {  	(tag) =	ssettag $0x2  }
0x44: {  	s0 =	rddreg [dreg:$0x0];
	s2 =	stileid.u32  }
0x45: {  	s1 =	rddreg [dreg:$0x1];
	p0 =	sne.s32 s2, $0x0  }
0x46: {  	s3 =	rddreg [dreg:$0x2];
	[bflag:$0x3] =	sbarrier.arrive $0xFFFF;
	s2 =	simm.s32 @!p0 $0x1C01  }
0x47: {  	[timem:s3], [sflag:s2] =	dma.local @!p0 [hbm:s0], s1  }
0x48: {  	s0 =	simm.s32 @!p0 $0x1  }
0x49: {  	_ =	swait.ge @!p0 [sflag:s0], s1  }
0x4a: {  	s1 =	ssub.s32 @!p0 $0x0, s1;
	[sflag:s0] =	ssyncset.done @!p0 $0x0  }
0x4b: {  	[sflag:s0] =	ssyncadd.s32 @!p0 s1  }
0x4c: {  	[bflag:$0x3] =	sbarrier.arrive $0xFFFF  }
0x4d: {  	_ =	shalt  }

</sc_bundles>
